<compile_context>
chip_gen: v7x
topology: tpu7x:2x2x1
jax: 0.10.2.dev20260603
libtpu: 0.0.44.dev20260713+nightly
codegen_flags: <defaults>
</compile_context>

<pallas_src>
import jax
import jax.numpy as jnp
from jax.experimental import pallas as pl

NUM_CLASSES = 9
B_EV, S_EV = 8, 1280
N = B_EV * S_EV
IN_DIM, EMB, WIDTH, K, SDIM, PDIM, NCONV = 34, 128, 126, 32, 4, 32, 2


def _ln(x, g, b, eps=1e-5):
    m = x.mean(-1, keepdims=True)
    v = jnp.var(x, axis=-1, keepdims=True)
    return (x - m) / jnp.sqrt(v + eps) * g + b


def _linear(p, x):
    y = x @ p["W"]
    if "b" in p:
        y = y + p["b"]
    return y


def _ffn(p, x):
    for i in range(4):
        x = jax.nn.elu(_linear(p["lin"][i], x))
        x = _ln(x, p["ln"][i]["g"], p["ln"][i]["b"])
    return _linear(p["lin"][4], x)


def _gravnet_layer(p, x):
    h = _linear(p["lin_h"], x)
    s = _linear(p["lin_s"], x)
    sB = s.reshape(B_EV, S_EV, SDIM)
    d2 = jnp.sum((sB[:, :, None, :] - sB[:, None, :, :]) ** 2, axis=-1)
    negd, idx = jax.lax.top_k(-d2, K)
    w = jnp.exp(10.0 * negd)
    hB = h.reshape(B_EV, S_EV, PDIM)
    nbr = jax.vmap(lambda hb, ib: hb[ib])(hB, idx)
    msg = nbr * w[..., None]
    agg = jnp.concatenate([msg.mean(axis=2), msg.max(axis=2)], axis=-1).reshape(N, 2 * PDIM)
    x_new = _linear(p["lin_out1"], x) + _linear(p["lin_out2"], agg)
    return _ln(x + x_new, p["norm1"]["g"], p["norm1"]["b"])


def _copy_body(x_ref, o_ref):
    o_ref[...] = x_ref[...]


def kernel(x, batch_index, params):
    del batch_index
    x = pl.pallas_call(
        _copy_body, out_shape=jax.ShapeDtypeStruct(x.shape, x.dtype)
    )(x)
    inp = x
    e = inp
    for i in range(3):
        e = jax.nn.elu(_linear(params["nn0"][i], e))
    e = _linear(params["nn0"][3], e)
    embs_id = []
    cur = e
    for p in params["conv_id"]:
        cur = _gravnet_layer(p, cur)
        embs_id.append(cur)
    embs_reg = []
    cur = e
    for p in params["conv_reg"]:
        cur = _gravnet_layer(p, cur)
        embs_reg.append(cur)
    emb_id = jnp.concatenate([inp] + embs_id, axis=-1)
    preds_id = _ffn(params["nn_id"], emb_id)
    emb_reg = jnp.concatenate([inp] + embs_reg + [preds_id], axis=-1)
    pt = _ffn(params["nn_pt"], emb_reg) + inp[:, 1:2]
    eta = _ffn(params["nn_eta"], emb_reg) + inp[:, 2:3]
    phi = _ffn(params["nn_phi"], emb_reg) + inp[:, 3:4]
    en = _ffn(params["nn_energy"], emb_reg) + inp[:, 4:5]
    preds_momentum = jnp.concatenate([pt, eta, phi, en], axis=-1)
    pred_charge = _ffn(params["nn_charge"], emb_reg)
    return (preds_id, preds_momentum, pred_charge)

# --- scband reference (transcript-rebuilt; emitter-appended) ---
"""Pipeline reference for scband-mlpf-13700945674821 (READ-ONLY COPY).

The authoritative reference and input builder live on the scoring server;
editing this copy changes nothing except your own understanding.
"""

import jax, jax.numpy as jnp
import numpy as np

NUM_CLASSES = 9
B_EV, S_EV = 8, 1280
N = B_EV * S_EV
IN_DIM, EMB, WIDTH, K, SDIM, PDIM, NCONV = 34, 128, 126, 32, 4, 32, 2


def _lin_p(key, din, dout, bias=True):
    k1, k2 = jax.random.split(key)
    p = {"W": jax.random.normal(k1, (din, dout), dtype=jnp.float32) / np.sqrt(din)}
    if bias:
        p["b"] = jax.random.normal(k2, (dout,), dtype=jnp.float32) * 0.01
    return p


def _ln_p(d):
    return {"g": jnp.ones((d,), jnp.float32), "b": jnp.zeros((d,), jnp.float32)}


def _ffn_p(key, din, dout):
    ks = jax.random.split(key, 5)
    dims = [(din, WIDTH), (WIDTH, WIDTH), (WIDTH, WIDTH), (WIDTH, WIDTH), (WIDTH, dout)]
    return {"lin": [_lin_p(ks[i], *dims[i]) for i in range(5)],
            "ln": [_ln_p(WIDTH) for _ in range(4)]}


def _gravnet_p(key):
    ks = jax.random.split(key, 4)
    return {"lin_s": _lin_p(ks[0], EMB, SDIM),
            "lin_h": _lin_p(ks[1], EMB, PDIM),
            "lin_out1": _lin_p(ks[2], EMB, EMB, bias=False),
            "lin_out2": _lin_p(ks[3], 2 * PDIM, EMB),
            "norm1": _ln_p(EMB)}


def setup_inputs(seed: int = 0) -> dict:
    key = jax.random.key(seed)
    ks = jax.random.split(key, 16)
    x = jax.random.normal(ks[0], (N, IN_DIM), dtype=jnp.float32)
    batch_index = jnp.repeat(jnp.arange(B_EV, dtype=jnp.int32), S_EV)
    nn0_dims = [(IN_DIM, WIDTH), (WIDTH, WIDTH), (WIDTH, WIDTH), (WIDTH, EMB)]
    nn0 = [_lin_p(jax.random.fold_in(ks[1], i), *nn0_dims[i]) for i in range(4)]
    conv_id = [_gravnet_p(jax.random.fold_in(ks[2], i)) for i in range(NCONV)]
    conv_reg = [_gravnet_p(jax.random.fold_in(ks[3], i)) for i in range(NCONV)]
    dec = IN_DIM + NCONV * EMB
    params = {
        "nn0": nn0, "conv_id": conv_id, "conv_reg": conv_reg,
        "nn_id": _ffn_p(ks[4], dec, NUM_CLASSES),
        "nn_pt": _ffn_p(ks[5], dec + NUM_CLASSES, 1),
        "nn_eta": _ffn_p(ks[6], dec + NUM_CLASSES, 1),
        "nn_phi": _ffn_p(ks[7], dec + NUM_CLASSES, 1),
        "nn_energy": _ffn_p(ks[8], dec + NUM_CLASSES, 1),
        "nn_charge": _ffn_p(ks[9], dec + NUM_CLASSES, 3),
    }
    return {"x": x, "batch_index": batch_index, "params": params}


def _ln(x, g, b, eps=1e-5):
    m = x.mean(-1, keepdims=True)
    v = jnp.var(x, axis=-1, keepdims=True)
    return (x - m) / jnp.sqrt(v + eps) * g + b


def _linear(p, x):
    y = x @ p["W"]
    if "b" in p:
        y = y + p["b"]
    return y


def _ffn(p, x):
    for i in range(4):
        x = jax.nn.elu(_linear(p["lin"][i], x))
        x = _ln(x, p["ln"][i]["g"], p["ln"][i]["b"])
    return _linear(p["lin"][4], x)


def _gravnet_layer(p, x):
    # GravNetConv: learned space proj -> per-event kNN -> gaussian-weighted
    # mean+max aggregation of propagated features, then residual + LayerNorm
    h = _linear(p["lin_h"], x)
    s = _linear(p["lin_s"], x)
    sB = s.reshape(B_EV, S_EV, SDIM)
    d2 = jnp.sum((sB[:, :, None, :] - sB[:, None, :, :]) ** 2, axis=-1)  # [B,S,S]
    negd, idx = jax.lax.top_k(-d2, K)  # k nearest (includes self, dist 0)
    w = jnp.exp(10.0 * negd)  # == exp(-10 * d2_k)
    hB = h.reshape(B_EV, S_EV, PDIM)
    nbr = jax.vmap(lambda hb, ib: hb[ib])(hB, idx)  # [B,S,K,PDIM] gather
    msg = nbr * w[..., None]
    agg = jnp.concatenate([msg.mean(axis=2), msg.max(axis=2)], axis=-1).reshape(N, 2 * PDIM)
    x_new = _linear(p["lin_out1"], x) + _linear(p["lin_out2"], agg)
    return _ln(x + x_new, p["norm1"]["g"], p["norm1"]["b"])


def _forward(x, params):
    inp = x
    e = inp
    for i in range(3):
        e = jax.nn.elu(_linear(params["nn0"][i], e))
    e = _linear(params["nn0"][3], e)
    embs_id = []
    cur = e
    for p in params["conv_id"]:
        cur = _gravnet_layer(p, cur)
        embs_id.append(cur)
    embs_reg = []
    cur = e
    for p in params["conv_reg"]:
        cur = _gravnet_layer(p, cur)
        embs_reg.append(cur)
    emb_id = jnp.concatenate([inp] + embs_id, axis=-1)
    preds_id = _ffn(params["nn_id"], emb_id)
    emb_reg = jnp.concatenate([inp] + embs_reg + [preds_id], axis=-1)
    pt = _ffn(params["nn_pt"], emb_reg) + inp[:, 1:2]
    eta = _ffn(params["nn_eta"], emb_reg) + inp[:, 2:3]
    phi = _ffn(params["nn_phi"], emb_reg) + inp[:, 3:4]
    en = _ffn(params["nn_energy"], emb_reg) + inp[:, 4:5]
    preds_momentum = jnp.concatenate([pt, eta, phi, en], axis=-1)
    pred_charge = _ffn(params["nn_charge"], emb_reg)
    return (preds_id, preds_momentum, pred_charge)


def reference(x, batch_index, params):
    # batch_index is encoded structurally as B_EV equal segments of S_EV nodes
    return _forward(x, params)

if __name__ == "__main__":
    import jax
    _d = setup_inputs()
    print(jax.jit(kernel)(*tuple(_d.values())))

</pallas_src>

<mosaic_0001>
module attributes {stable_mosaic.version = 14 : i64} {
  func.func @_copy_body(%arg0: memref<10240x34xf32, #tpu.memory_space<vmem>>, %arg1: memref<10240x34xf32, #tpu.memory_space<vmem>>) attributes {dimension_semantics = [], scalar_prefetch = 0 : i64, scratch_operands = 0 : i64, tpu.core_type = #tpu.core_type<tc>} {
    %get3A = arith.constant 0 : index
    %get3A_0 = arith.constant 0 : index
    %get3A_1 = vector.load %arg0[%get3A, %get3A_0] : memref<10240x34xf32, #tpu.memory_space<vmem>>, vector<10240x34xf32>
    %swap3A = arith.constant 0 : index
    %swap3A_2 = arith.constant 0 : index
    %swap3A_3 = vector.load %arg1[%swap3A, %swap3A_2] : memref<10240x34xf32, #tpu.memory_space<vmem>>, vector<10240x34xf32>
    tpu.vector_store %arg1[%swap3A, %swap3A_2], %get3A_1 {strides = array<i32>} : memref<10240x34xf32, #tpu.memory_space<vmem>>, vector<10240x34xf32>,
    return
  }
}

</mosaic_0001>

<sc_bundles>
// kernel: sparse-core-data-format-call.1.cloned.1.call-start
scs
called_computation.1_lowered:
.L_overlay_start_0:
0x0: {  	s1 =	sld [smem:$0x3FD9]  }
0x1: {  	s2 =	sld [smem:$0x3FFE];
	_ =	sdelay $0x1  }
0x2: {  	s3 =	srdreg.scid  }
0x3: {  	s0 =	sand.u32 $0x1, s3  }
0x4: {  	s17 =	sshll.u32 s0, $0xA;
	s1 =	sadd.s32 s2, s1  }
0x5: {  	s1 =	sadd.s32 s1, s17  }
0x6: {  	[smem:$0x3F2F] =	sst s1  }
0x7: {  	_ = 	snop  }
0x8: {  	(tm) =	ssettm $0x1  }
0x9: {  	s18 =	sld [smem:$0x3FFB];
	_ =	sdelay $0x3  }
0xa: {  	_ =	strace s18  }
0xb: {  	s1 =	sld [smem:$0x3FFC];
	_ =	sdelay $0x3  }
0xc: {  	_ =	strace s1  }
0xd: {  	s1 =	sld [smem:$0x3FFD];
	_ =	sdelay $0x3  }
0xe: {  	_ =	strace s1  }
0xf: {  	_ =	strace $0x8FFFFFFF  }
0x10: {  	s19 =	sld [smem:$0x3FDB];
	_ =	sdelay $0x1  }
0x11: {  	s20 =	simm.s32 $_scs_section_size  }
0x12: {  	s4 =	simm.s32 $_size__tile_overlayer_lowered;
	s5 =	simm.s32 $_tile_overlayer_lowered  }
0x13: {  	s23 =	simm.s32 $0x1BFF;
	s22 =	sshll.u32 s5, $0x1;
	s1 =	sadd.s32 s20, s19  }
0x14: {  	s6 =	simm.s32 $0x0;
	s21 =	sshll.u32 s4, $0x1;
	s4 =	sadd.s32 s22, s1  }
0x15: {  	[timem:s6], [sflag:s23] =	dma.local [hbm:s4], s21  }
0x16: {  	_ =	swait.ge [sflag:s23], s21  }
0x17: {  	s2 =	ssub.s32 $0x0, s21;
	[sflag:s23] =	ssyncset.done $0x0  }
0x18: {  	[sflag:s23] =	ssyncadd.s32 s2;
	_ =	sdelay $0x1  }
0x19: {  	s24 =	simm.s32 $0x1B8B  }
0x1a: {  	_ =	swait.ge [sflag:s24], $0x1  }
0x1b: {  	[sflag:s24] =	ssyncset.done $0x0  }
0x1c: {  	s26 =	simm.s32 $0x1B8E;
	s25 =	sld [smem:$0x3FFE];
	[sflag:s24] =	ssyncadd.s32 $0xFFFFFFFF  }
0x1d: {  	s27 =	simm.s32 $execute0_lowered;
	[smem:$0x3FD2] =	sst s26  }
0x1e: {  	s4 =	sshll.u32 s27, $0x1;
	_ =	strace $0x80000046;
	[dreg:$0x1] =	wrdreg $0xFFFFFFFF  }
0x1f: {  	s28 =	simm.s32 $_size_execute0_lowered;
	s1 =	sadd.s32 s1, s4;
	[dreg:$0x0] =	wrdreg $0x0  }
0x20: {  	s4 =	sshll.u32 s28, $0x1;
	[dreg:$0x2] =	wrdreg s1  }
0x21: {  	[dreg:$0x3] =	wrdreg s4  }
0x22: {  	[dreg:$0x4] =	wrdreg $0xC0  }
0x23: {  	_ =	task [dreg:s6], $0x5FFFF  }
0x24: {  	[dreg:$0x1] =	wrdreg $0xFFFFFFFF  }
0x25: {  	[dreg:$0x0] =	wrdreg $0x60  }
0x26: {  	[dreg:$0x2] =	wrdreg s25  }
0x27: {  	[dreg:$0x3] =	wrdreg $0x9  }
0x28: {  	_ =	task.clear_ibuf [dreg:s6], $0x4FFFF;
	_ =	strace $0x90000046  }
0x29: {  	s29 =	simm.s32 $0x9;
	_ =	strace $0x80000048  }
0x2a: {  	_ =	swait.ge [sflag:s29], $0x1  }
0x2b: {  	[sflag:s29] =	ssyncadd.s32 $0xFFFFFFFF  }
0x2c: {  	_ =	strace $0x90000048  }
0x2d: {  	_ =	sfence  }
0x2e: {  	s30 =	sld [smem:$0x0];
	_ =	sdelay $0x2  }
0x2f: {  	s31 =	sshll.u32 s3, $0xD;
	s3 =	sshrl.u32 s3, $0x2  }
0x30: {  	s2 =	sand.u32 $0x4000, s31;
	s1 =	sadd.s32 s3, s30  }
0x31: {  	s0 =	sor.u32 s2, s0;
	s1 =	sshll.u32 s1, $0x11  }
0x32: {  	s0 =	sor.u32 s1, s0  }
0x33: {  	s0 =	sadd.s32 $0x8F2B, s0  }
0x34: {  	[sflag:s0] =	ssyncadd.remote.s32 $0x1  }
0x35: {  	_ =	sfence.sel $0xFFFF  }
0x36: {  	[dreg:$0x0] =	wrdreg $0xFFFFFFFF;
	(pc) =	sbr.abs _section_cstart, $3  }
0x37: {  	[dreg:$0x1] =	wrdreg $0xFFFFFFFF  }
0x38: {  	_ =	task.clear_ibuf [dreg:s6], $0x2FFFF;
	_ =	strace $0x9FFFFFFF  }
0x39: {  	(tm) =	ssettm $0x7FFFFFFF  }
tec
execute0_lowered:
.L_overlay_start_1:
0x0: {  	(tag) =	ssettag $0x1  }
0x1: {  	s0 =	stileid.u32;
	s1 =	srdreg.scid  }
0x2: {  	s4 =	rddreg [dreg:$0x0];
	s2 =	sshll.u32 s0, $0x4;
	s1 =	sshll.u32 s1, $0x8  }
0x3: {  	s5 =	simm.s32 $0x1;
	s8 =	simm.s32 $0x2;
	s1 =	sor.u32 s2, s1  }
0x4: {  	s16 =	simm.s32 $0x0;
	s9 =	simm.s32 $0x2800;
	s2 =	sand.u32 $0x180, s1  }
0x5: {  	s15 =	simm.s32 $0x0;
	s14 =	simm.s32 $0x0;
	s3 =	ssub.s32 $0x500, s2  }
0x6: {  	s10 =	simm.s32 $0x0;
	s7 =	sand.u32 $0x7, s0;
	s31 =	sand.u32 $0x180, s3  }
0x7: {  	s13 =	simm.s32 $0x0;
	s12 =	smov.u32 s7;
	p0 =	sne.s32 s31, $0x0  }
.Ltmp0:
0x8: {  	s6 =	sshrl.u32 s3, $0x9;
	s5 =	simm.s32 @!p0 $0x0;
	(pc) =	sbr.rel .LBB1_1-.Ltmp0, $4  }
0x9: {  	s1 =	rddreg [dreg:$0x1];
	_ =	strace $0x80000047;
	s6 =	sadd.s32 s5, s6  }
0xa: {  	s11 =	smov.u32 s2;
	s5 =	simm.s32 $0x1;
	s6 =	smul.u32 $0xA, s6  }
0xb: {  	s3 =	sadd.s32 $0x51000, s4;
	s4 =	sadd.s32 $0x1E1000, s4;
	[sflag:s5] =	ssyncpa.u1 $0x0  }
0xc: {  	p0 =	por $0x0, $0x0;
	[sflag:s8] =	ssyncpa.u1 $0x0;
	s8 =	sor.u32 $0x1, s6  }
.LBB1_4:
0xd: {  	s22 =	sshrl.u32 s16, $0x3  }
0xe: {  	s23 =	sshll.u32 s15, $0x3;
	s22 =	smul.u32 $0x2800, s22  }
0xf: {  	s24 =	sshll.u32 s16, $0x7;
	s23 =	sand.u32 $0xFFFFFC00, s23  }
0x10: {  	s16 =	sand.u32 $0x380, s24;
	s22 =	sadd.s32 s23, s22  }
0x11: {  	s16 =	sor.u32 s16, s22  }
0x12: {  	v5 =	vld [tilespmem:s20+$0xFFFFFFD0];
	[tilespmem:s19+$0x2040 ss:$0x81] =	vst.msk $0xffff, v4;
	s25 =	sand.u32 $0x7F, s15;
	s22 =	smulhi.u32 $0xCCCCCCCD, s16  }
0x13: {  	v58 =	vld [tilespmem:s20+$0xFFFFFFE0];
	[tilespmem:s19+$0x2850 ss:$0x81] =	vst.msk $0xffff, v3;
	s15 =	sor.u32 s25, s16  }
0x14: {  	s26 =	sshra.s32 s21, $0x2;
	v59 =	vld [tilespmem:s20+$0xFFFFFFF0];
	[tilespmem:s19+$0x3060 ss:$0x81] =	vst.msk $0xffff, v2;
	s27 =	smulhi.u32 $0xCCCCCCCD, s15;
	s22 =	sshrl.u32 s22, $0xA  }
0x15: {  	v60 =	vld [tilespmem:s20+$0x0];
	[tilespmem:s19+$0x0 ss:$0x81] =	vst.msk $0xffff, v0;
	s16 =	sadd.s32 s26, s18;
	s28 =	smulhi.u32 $0x333334, s22  }
0x16: {  	v61 =	vld [tilespmem:s20+$0x10];
	[tilespmem:s16+$0x3870 ss:$0x81] =	vst.msk $0xffff, v1  }
0x17: {  	v62 =	vld [tilespmem:s20+$0x20];
	[tilespmem:s16+$0x810 ss:$0x81] =	vst.msk $0xffff, v5;
	s29 =	sshrl.u32 s27, $0xA;
	s18 =	smul.u32 $0x500, s28  }
0x18: {  	v63 =	vld [tilespmem:s20+$0xFFFFFFC0];
	[tilespmem:s16+$0x1020 ss:$0x81] =	vst.msk $0xffff, v58;
	s19 =	smul.u32 $0x500, s29  }
0x19: {  	s14 =	smul.u32 $0x32000, s14;
	[tilespmem:s16+$0x1830 ss:$0x81] =	vst.msk $0xffff, v59;
	s18 =	ssub.s32 s22, s18  }
0x1a: {  	[tilespmem:s16+$0x2040 ss:$0x81] =	vst.msk $0xffff, v60;
	s15 =	ssub.s32 s15, s19;
	s18 =	smul.u32 $0xA0, s18  }
0x1b: {  	s14 =	sadd.s32 s4, s14;
	[tilespmem:s16+$0x2850 ss:$0x81] =	vst.msk $0xffff, v61;
	s19 =	sand.u32 $0x7, s15  }
0x1c: {  	[tilespmem:s16+$0x3060 ss:$0x81] =	vst.msk $0xffff, v62;
	s15 =	sshrl.u32 s15, $0x3;
	s30 =	sshll.u32 s19, $0x12;
	s14 =	sadd.s32 s18, s14  }
0x1d: {  	[tilespmem:s16+$0x0 ss:$0x81] =	vst.msk $0xffff, v63;
	s31 =	sor.u32 $0x400, s30;
	s14 =	sadd.s32 s15, s14  }
0x1e: {  	[hbm4b:s14+s31] =	stream.strided.scatter [tilespmem:s17], [sflag:$0x2], $0x4000, s9, s31, $0x20;
	[tilespmem:$0x10100] =	vst v63  }
.LBB1_5:
0x1f: {  	s17 =	sadd.s32 $0x80, s10  }
0x20: {  	s14 =	sadd.s32 $0x200, s11;
	s18 =	smov.u32 s11;
	p2 =	sgt.s32 s17, $0x4FF  }
0x21: {  	s18 =	smov.u32 @p2 s14  }
0x22: {  	s20 =	smov.u32 s12;
	s14 =	sadd.s32 $0x8, s12;
	p3 =	sgt.s32 s18, $0x4FF  }
0x23: {  	s20 =	smov.u32 @p3 s14  }
0x24: {  	s17 =	simm.s32 @p2 $0x0;
	p2 =	sgt.s32 s20, $0x7  }
0x25: {  	p1 =	slt.u32 s13, $0x2;
	s20 =	smov.u32 @p2 s7;
	p2 =	sne.s32 s13, s8  }
.Ltmp1:
0x26: {  	s19 =	simm.s32 @!p1 $0x2;
	(pc) =	sbr.rel @!p2 .LBB1_6-.Ltmp1, $4  }
0x27: {  	s16 =	smov.u32 s10;
	s15 =	smov.u32 s11;
	_ =	swait.ge @!p1 [sflag:s19], $0x4000  }
0x28: {  	p0 =	por !p0, !p0;
	[sflag:s19] =	ssyncset.done @!p1 $0x0;
	s10 =	smov.u32 s17  }
0x29: {  	s18 =	smov.u32 @p3 s2;
	s14 =	smov.u32 s12;
	[sflag:s19] =	ssyncadd.s32 @!p1 $0xFFFFC000  }
0x2a: {  	s11 =	smov.u32 s18;
	s13 =	sadd.s32 $0x1, s13;
	s12 =	smov.u32 s20  }
.LBB1_1:
0x2b: {  	p1 =	sge.u32 s13, s6  }
0x2c: {  	s17 =	sshrl.u32 @!p1 s11, $0x3  }
0x2d: {  	s18 =	sshll.u32 @!p1 s10, $0x3;
	s17 =	smul.u32 @!p1 $0x2800, s17  }
0x2e: {  	s19 =	sshll.u32 @!p1 s11, $0x7;
	s18 =	sand.u32 @!p1 $0xFFFFFC00, s18  }
0x2f: {  	s17 =	sadd.s32 @!p1 s17, s18;
	s18 =	sand.u32 @!p1 $0x380, s19  }
0x30: {  	s17 =	sor.u32 @!p1 s18, s17  }
0x31: {  	s18 =	sand.u32 @!p1 $0x7F, s10;
	s19 =	smulhi.u32 @!p1 $0xCCCCCCCD, s17  }
0x32: {  	s17 =	sor.u32 @!p1 s18, s17  }
0x33: {  	s18 =	smulhi.u32 @!p1 $0xCCCCCCCD, s17;
	s19 =	sshrl.u32 @!p1 s19, $0xA  }
0x34: {  	s20 =	smulhi.u32 @!p1 $0x333334, s19;
	_ =	sdelay $0x1  }
0x35: {  	s18 =	sshrl.u32 @!p1 s18, $0xA;
	s20 =	smul.u32 @!p1 $0x500, s20  }
0x36: {  	s31 =	sadd.s32 $0xFFFFFFFF, s13;
	s18 =	smul.u32 @!p1 $0x500, s18  }
0x37: {  	s21 =	sxor.u32 @!p1 $0xFFFFFFFF, s13;
	s19 =	ssub.s32 @!p1 s19, s20;
	s20 =	smul.u32 @!p1 $0x32000, s12  }
0x38: {  	s21 =	sshll.u32 @!p1 s21, $0xE;
	s17 =	ssub.s32 @!p1 s17, s18;
	s18 =	smul.u32 @!p1 $0xA0, s19  }
0x39: {  	s19 =	sand.u32 @!p1 $0x4000, s21;
	s21 =	sand.u32 @!p1 $0x7, s17;
	s20 =	sadd.s32 @!p1 s3, s20  }
0x3a: {  	s17 =	sshrl.u32 @!p1 s17, $0x3;
	s18 =	sadd.s32 @!p1 s18, s20;
	s20 =	sshll.u32 @!p1 s21, $0x12  }
0x3b: {  	s17 =	sadd.s32 @!p1 s17, s18;
	s18 =	sor.u32 @!p1 $0x400, s20;
	s20 =	simm.s32 @!p1 $0x2800  }
0x3c: {  	[tilespmem:s19], [sflag:$0x1] =	stream.strided.gather @!p1 [hbm4b:s17+s18], $0x4000, s20, s18, $0x38;
	[tilespmem:$0x10100] =	vst v63  }
0x3d: {  	p1 =	sge.u32 s31, s6  }
.Ltmp2:
0x3e: {  	_ = 	snop;
	(pc) =	sbr.rel @p1 .LBB1_5-.Ltmp2, $1  }
0x3f: {  	_ =	sdelay $0x3  }
0x40: {  	s17 =	simm.s32 $0x1  }
0x41: {  	_ =	swait.ge [sflag:s5], $0x4000;
	s17 =	simm.s32 @!p0 $0x0  }
0x42: {  	[sflag:s5] =	ssyncset.done $0x0;
	s18 =	sshll.u32 s17, $0xE  }
0x43: {  	[sflag:s5] =	ssyncadd.s32 $0xFFFFC000;
	s20 =	sor.u32 $0x40, s18  }
0x44: {  	s17 =	smul.u32 $0x10200, s17;
	v0 =	vld [tilespmem:s20+$0x30]  }
0x45: {  	v1 =	vld [tilespmem:s20+$0xFFFFFFD0]  }
0x46: {  	s17 =	sshrl.u32 s17, $0x2;
	v5 =	vld [tilespmem:s20+$0xFFFFFFE0]  }
0x47: {  	v6 =	vld [tilespmem:s20+$0xFFFFFFF0];
	s18 =	sor.u32 $0x8000, s17  }
0x48: {  	s31 =	sand.u32 $0x1, s13;
	v4 =	vld [tilespmem:s20+$0x0];
	s19 =	sadd.s32 $0x0, s18  }
0x49: {  	v3 =	vld [tilespmem:s20+$0x10];
	s17 =	smul.u32 $0x10200, s31;
	[tilespmem:s19+$0x3870 ss:$0x81] =	vst.msk $0xffff, v0  }
0x4a: {  	v2 =	vld [tilespmem:s20+$0x20];
	[tilespmem:s19+$0x810 ss:$0x81] =	vst.msk $0xffff, v1  }
0x4b: {  	s17 =	sshrl.u32 s17, $0x2;
	v0 =	vld [tilespmem:s20+$0xFFFFFFC0];
	[tilespmem:s19+$0x1020 ss:$0x81] =	vst.msk $0xffff, v5;
	s20 =	sadd.s32 $0x80, s20  }
0x4c: {  	s21 =	simm.s32 $0x4;
	s22 =	simm.s32 $0x8;
	s17 =	sor.u32 $0x8000, s17;
	[tilespmem:s19+$0x1830 ss:$0x81] =	vst.msk $0xffff, v6;
	v1 =	vld [tilespmem:s20+$0x30]  }
.LBB1_3:
0x4d: {  	p1 =	sne.s32 s22, $0x1FC;
	v5 =	vld [tilespmem:s20+$0xFFFFFFD0];
	[tilespmem:s19+$0x2040 ss:$0x81] =	vst.msk $0xffff, v4  }
0x4e: {  	v6 =	vld [tilespmem:s20+$0xFFFFFFE0];
	[tilespmem:s19+$0x2850 ss:$0x81] =	vst.msk $0xffff, v3  }
0x4f: {  	s23 =	sshra.s32 s21, $0x2;
	s21 =	smov.u32 s22;
	v7 =	vld [tilespmem:s20+$0xFFFFFFF0];
	[tilespmem:s19+$0x3060 ss:$0x81] =	vst.msk $0xffff, v2  }
.Ltmp3:
0x50: {  	v4 =	vld [tilespmem:s20+$0x0];
	[tilespmem:s19+$0x0 ss:$0x81] =	vst.msk $0xffff, v0;
	s19 =	sadd.s32 s23, s18;
	(pc) =	sbr.rel @p1 .LBB1_3-.Ltmp3, $4  }
0x51: {  	v3 =	vld [tilespmem:s20+$0x10];
	[tilespmem:s19+$0x3870 ss:$0x81] =	vst.msk $0xffff, v1  }
0x52: {  	[tilespmem:s19+$0x810 ss:$0x81] =	vst.msk $0xffff, v5;
	v2 =	vld [tilespmem:s20+$0x20]  }
0x53: {  	v0 =	vld [tilespmem:s20+$0xFFFFFFC0];
	[tilespmem:s19+$0x1020 ss:$0x81] =	vst.msk $0xffff, v6;
	s20 =	sadd.s32 $0x80, s20  }
0x54: {  	s22 =	sadd.s32 $0x4, s22;
	v1 =	vld [tilespmem:s20+$0x30];
	[tilespmem:s19+$0x1830 ss:$0x81] =	vst.msk $0xffff, v7  }
.Ltmp4:
0x55: {  	_ = 	snop;
	(pc) =	sbr.rel .LBB1_4-.Ltmp4, $1  }
0x56: {  	_ =	sdelay $0x3  }
.LBB1_6:
0x57: {  	_ =	sfence.sel $0x180000  }
0x58: {  	s2 =	simm.s32 $0x1;
	[bflag:$0x0] =	sbarrier.arrive $0xFFFF  }
0x59: {  	s31 =	simm.s32 $0x2;
	[sflag:s2] =	ssyncpa.u1 $0x1  }
0x5a: {  	[sflag:s31] =	ssyncpa.u1 $0x1  }
0x5b: {  	p0 =	sne.s32 s0, $0x0;
	_ =	strace $0x90000047  }
0x5c: {  	s0 =	sadd.s32 @!p0 $0x100000, s1;
	[bflag:$0x2] =	sbarrier.arrive $0xFFFF  }
0x5d: {  	[sflag:s0] =	ssyncadd.tile.s32 @!p0 $0x1;
	_ =	shalt  }
.Lfunc_end1:
_tile_overlayer_lowered:
.L_overlay_start_2:
0x5e: {  	(tag) =	ssettag $0x2  }
0x5f: {  	s0 =	rddreg [dreg:$0x0];
	s2 =	stileid.u32  }
0x60: {  	s1 =	rddreg [dreg:$0x1];
	p0 =	sne.s32 s2, $0x0  }
0x61: {  	s3 =	rddreg [dreg:$0x2];
	[bflag:$0x3] =	sbarrier.arrive $0xFFFF;
	s2 =	simm.s32 @!p0 $0x1C01  }
0x62: {  	[timem:s3], [sflag:s2] =	dma.local @!p0 [hbm:s0], s1  }
0x63: {  	s0 =	simm.s32 @!p0 $0x1  }
0x64: {  	_ =	swait.ge @!p0 [sflag:s0], s1  }
0x65: {  	s1 =	ssub.s32 @!p0 $0x0, s1;
	[sflag:s0] =	ssyncset.done @!p0 $0x0  }
0x66: {  	[sflag:s0] =	ssyncadd.s32 @!p0 s1  }
0x67: {  	[bflag:$0x3] =	sbarrier.arrive $0xFFFF  }
0x68: {  	_ =	shalt  }

// kernel: sparse-core-data-format-call.2.cloned.1.call-start
scs
called_computation.2_lowered:
.L_overlay_start_0:
0x0: {  	s1 =	sld [smem:$0x3FD9]  }
0x1: {  	s2 =	sld [smem:$0x3FFE];
	_ =	sdelay $0x1  }
0x2: {  	s3 =	srdreg.scid  }
0x3: {  	s0 =	sand.u32 $0x1, s3  }
0x4: {  	s17 =	sshll.u32 s0, $0xA;
	s1 =	sadd.s32 s2, s1  }
0x5: {  	s1 =	sadd.s32 s1, s17  }
0x6: {  	[smem:$0x3F2F] =	sst s1  }
0x7: {  	_ = 	snop  }
0x8: {  	(tm) =	ssettm $0x1  }
0x9: {  	s18 =	sld [smem:$0x3FFB];
	_ =	sdelay $0x3  }
0xa: {  	_ =	strace s18  }
0xb: {  	s1 =	sld [smem:$0x3FFC];
	_ =	sdelay $0x3  }
0xc: {  	_ =	strace s1  }
0xd: {  	s1 =	sld [smem:$0x3FFD];
	_ =	sdelay $0x3  }
0xe: {  	_ =	strace s1  }
0xf: {  	_ =	strace $0x8FFFFFFF  }
0x10: {  	s19 =	sld [smem:$0x3FDB];
	_ =	sdelay $0x1  }
0x11: {  	s20 =	simm.s32 $_scs_section_size  }
0x12: {  	s4 =	simm.s32 $_size__tile_overlayer_lowered;
	s5 =	simm.s32 $_tile_overlayer_lowered  }
0x13: {  	s23 =	simm.s32 $0x1BFF;
	s22 =	sshll.u32 s5, $0x1;
	s1 =	sadd.s32 s20, s19  }
0x14: {  	s6 =	simm.s32 $0x0;
	s21 =	sshll.u32 s4, $0x1;
	s4 =	sadd.s32 s22, s1  }
0x15: {  	[timem:s6], [sflag:s23] =	dma.local [hbm:s4], s21  }
0x16: {  	_ =	swait.ge [sflag:s23], s21  }
0x17: {  	s2 =	ssub.s32 $0x0, s21;
	[sflag:s23] =	ssyncset.done $0x0  }
0x18: {  	[sflag:s23] =	ssyncadd.s32 s2;
	_ =	sdelay $0x1  }
0x19: {  	s24 =	simm.s32 $0x1B8B  }
0x1a: {  	_ =	swait.ge [sflag:s24], $0x1  }
0x1b: {  	[sflag:s24] =	ssyncset.done $0x0  }
0x1c: {  	s26 =	simm.s32 $0x1B8E;
	s25 =	sld [smem:$0x3FFE];
	[sflag:s24] =	ssyncadd.s32 $0xFFFFFFFF  }
0x1d: {  	s27 =	simm.s32 $execute0_lowered;
	[smem:$0x3FD2] =	sst s26  }
0x1e: {  	s4 =	sshll.u32 s27, $0x1;
	_ =	strace $0x8000004C;
	[dreg:$0x1] =	wrdreg $0xFFFFFFFF  }
0x1f: {  	s28 =	simm.s32 $_size_execute0_lowered;
	s1 =	sadd.s32 s1, s4;
	[dreg:$0x0] =	wrdreg $0x0  }
0x20: {  	s4 =	sshll.u32 s28, $0x1;
	[dreg:$0x2] =	wrdreg s1  }
0x21: {  	[dreg:$0x3] =	wrdreg s4  }
0x22: {  	[dreg:$0x4] =	wrdreg $0xC0  }
0x23: {  	_ =	task [dreg:s6], $0x5FFFF  }
0x24: {  	[dreg:$0x1] =	wrdreg $0xFFFFFFFF  }
0x25: {  	[dreg:$0x0] =	wrdreg $0x60  }
0x26: {  	[dreg:$0x2] =	wrdreg s25  }
0x27: {  	[dreg:$0x3] =	wrdreg $0xA  }
0x28: {  	_ =	task.clear_ibuf [dreg:s6], $0x4FFFF;
	_ =	strace $0x9000004C  }
0x29: {  	s29 =	simm.s32 $0xA;
	_ =	strace $0x8000004E  }
0x2a: {  	_ =	swait.ge [sflag:s29], $0x1  }
0x2b: {  	[sflag:s29] =	ssyncadd.s32 $0xFFFFFFFF  }
0x2c: {  	_ =	strace $0x9000004E  }
0x2d: {  	_ =	sfence  }
0x2e: {  	s30 =	sld [smem:$0x0];
	_ =	sdelay $0x2  }
0x2f: {  	s31 =	sshll.u32 s3, $0xD;
	s3 =	sshrl.u32 s3, $0x2  }
0x30: {  	s2 =	sand.u32 $0x4000, s31;
	s1 =	sadd.s32 s3, s30  }
0x31: {  	s0 =	sor.u32 s2, s0;
	s1 =	sshll.u32 s1, $0x11  }
0x32: {  	s0 =	sor.u32 s1, s0  }
0x33: {  	s0 =	sadd.s32 $0x8F2B, s0  }
0x34: {  	[sflag:s0] =	ssyncadd.remote.s32 $0x1  }
0x35: {  	_ =	sfence.sel $0xFFFF  }
0x36: {  	[dreg:$0x0] =	wrdreg $0xFFFFFFFF;
	(pc) =	sbr.abs _section_cstart, $3  }
0x37: {  	[dreg:$0x1] =	wrdreg $0xFFFFFFFF  }
0x38: {  	_ =	task.clear_ibuf [dreg:s6], $0x2FFFF;
	_ =	strace $0x9FFFFFFF  }
0x39: {  	(tm) =	ssettm $0x7FFFFFFF  }
tec
execute0_lowered:
.L_overlay_start_1:
0x0: {  	(tag) =	ssettag $0x1  }
0x1: {  	s0 =	stileid.u32;
	s1 =	srdreg.scid  }
0x2: {  	s4 =	rddreg [dreg:$0x0];
	s2 =	sshll.u32 s0, $0x4;
	s1 =	sshll.u32 s1, $0x8  }
0x3: {  	s5 =	simm.s32 $0x1;
	s8 =	simm.s32 $0x2;
	s1 =	sor.u32 s2, s1  }
0x4: {  	s16 =	simm.s32 $0x0;
	s9 =	simm.s32 $0x2800;
	s2 =	sand.u32 $0x180, s1  }
0x5: {  	s15 =	simm.s32 $0x0;
	s14 =	simm.s32 $0x0;
	s3 =	ssub.s32 $0x500, s2  }
0x6: {  	s10 =	simm.s32 $0x0;
	s7 =	sand.u32 $0x7, s0;
	s31 =	sand.u32 $0x180, s3  }
0x7: {  	s13 =	simm.s32 $0x0;
	s12 =	smov.u32 s7;
	p0 =	sne.s32 s31, $0x0  }
.Ltmp0:
0x8: {  	s6 =	sshrl.u32 s3, $0x9;
	s5 =	simm.s32 @!p0 $0x0;
	(pc) =	sbr.rel .LBB1_1-.Ltmp0, $4  }
0x9: {  	s1 =	rddreg [dreg:$0x1];
	_ =	strace $0x8000004D;
	s6 =	sadd.s32 s5, s6  }
0xa: {  	s11 =	smov.u32 s2;
	s5 =	simm.s32 $0x1;
	s6 =	smul.u32 $0xA, s6  }
0xb: {  	s3 =	sadd.s32 $0x213000, s4;
	s4 =	sadd.s32 $0x3A3000, s4;
	[sflag:s5] =	ssyncpa.u1 $0x0  }
0xc: {  	p0 =	por $0x0, $0x0;
	[sflag:s8] =	ssyncpa.u1 $0x0;
	s8 =	sor.u32 $0x1, s6  }
.LBB1_4:
0xd: {  	s22 =	sshrl.u32 s16, $0x3  }
0xe: {  	s23 =	sshll.u32 s15, $0x3;
	s22 =	smul.u32 $0x2800, s22  }
0xf: {  	s24 =	sshll.u32 s16, $0x7;
	s23 =	sand.u32 $0xFFFFFC00, s23  }
0x10: {  	s16 =	sand.u32 $0x380, s24;
	s22 =	sadd.s32 s23, s22  }
0x11: {  	s16 =	sor.u32 s16, s22  }
0x12: {  	v5 =	vld [tilespmem:s20+$0xFFFFFFD0];
	[tilespmem:s19+$0x2040 ss:$0x81] =	vst.msk $0xffff, v4;
	s25 =	sand.u32 $0x7F, s15;
	s22 =	smulhi.u32 $0xCCCCCCCD, s16  }
0x13: {  	v58 =	vld [tilespmem:s20+$0xFFFFFFE0];
	[tilespmem:s19+$0x2850 ss:$0x81] =	vst.msk $0xffff, v3;
	s15 =	sor.u32 s25, s16  }
0x14: {  	s26 =	sshra.s32 s21, $0x2;
	v59 =	vld [tilespmem:s20+$0xFFFFFFF0];
	[tilespmem:s19+$0x3060 ss:$0x81] =	vst.msk $0xffff, v2;
	s27 =	smulhi.u32 $0xCCCCCCCD, s15;
	s22 =	sshrl.u32 s22, $0xA  }
0x15: {  	v60 =	vld [tilespmem:s20+$0x0];
	[tilespmem:s19+$0x0 ss:$0x81] =	vst.msk $0xffff, v0;
	s16 =	sadd.s32 s26, s18;
	s28 =	smulhi.u32 $0x333334, s22  }
0x16: {  	v61 =	vld [tilespmem:s20+$0x10];
	[tilespmem:s16+$0x3870 ss:$0x81] =	vst.msk $0xffff, v1  }
0x17: {  	v62 =	vld [tilespmem:s20+$0x20];
	[tilespmem:s16+$0x810 ss:$0x81] =	vst.msk $0xffff, v5;
	s29 =	sshrl.u32 s27, $0xA;
	s18 =	smul.u32 $0x500, s28  }
0x18: {  	v63 =	vld [tilespmem:s20+$0xFFFFFFC0];
	[tilespmem:s16+$0x1020 ss:$0x81] =	vst.msk $0xffff, v58;
	s19 =	smul.u32 $0x500, s29  }
0x19: {  	s14 =	smul.u32 $0x32000, s14;
	[tilespmem:s16+$0x1830 ss:$0x81] =	vst.msk $0xffff, v59;
	s18 =	ssub.s32 s22, s18  }
0x1a: {  	[tilespmem:s16+$0x2040 ss:$0x81] =	vst.msk $0xffff, v60;
	s15 =	ssub.s32 s15, s19;
	s18 =	smul.u32 $0xA0, s18  }
0x1b: {  	s14 =	sadd.s32 s4, s14;
	[tilespmem:s16+$0x2850 ss:$0x81] =	vst.msk $0xffff, v61;
	s19 =	sand.u32 $0x7, s15  }
0x1c: {  	[tilespmem:s16+$0x3060 ss:$0x81] =	vst.msk $0xffff, v62;
	s15 =	sshrl.u32 s15, $0x3;
	s30 =	sshll.u32 s19, $0x12;
	s14 =	sadd.s32 s18, s14  }
0x1d: {  	[tilespmem:s16+$0x0 ss:$0x81] =	vst.msk $0xffff, v63;
	s31 =	sor.u32 $0x400, s30;
	s14 =	sadd.s32 s15, s14  }
0x1e: {  	[hbm4b:s14+s31] =	stream.strided.scatter [tilespmem:s17], [sflag:$0x2], $0x4000, s9, s31, $0x20;
	[tilespmem:$0x10100] =	vst v63  }
.LBB1_5:
0x1f: {  	s17 =	sadd.s32 $0x80, s10  }
0x20: {  	s14 =	sadd.s32 $0x200, s11;
	s18 =	smov.u32 s11;
	p2 =	sgt.s32 s17, $0x4FF  }
0x21: {  	s18 =	smov.u32 @p2 s14  }
0x22: {  	s20 =	smov.u32 s12;
	s14 =	sadd.s32 $0x8, s12;
	p3 =	sgt.s32 s18, $0x4FF  }
0x23: {  	s20 =	smov.u32 @p3 s14  }
0x24: {  	s17 =	simm.s32 @p2 $0x0;
	p2 =	sgt.s32 s20, $0x7  }
0x25: {  	p1 =	slt.u32 s13, $0x2;
	s20 =	smov.u32 @p2 s7;
	p2 =	sne.s32 s13, s8  }
.Ltmp1:
0x26: {  	s19 =	simm.s32 @!p1 $0x2;
	(pc) =	sbr.rel @!p2 .LBB1_6-.Ltmp1, $4  }
0x27: {  	s16 =	smov.u32 s10;
	s15 =	smov.u32 s11;
	_ =	swait.ge @!p1 [sflag:s19], $0x4000  }
0x28: {  	p0 =	por !p0, !p0;
	[sflag:s19] =	ssyncset.done @!p1 $0x0;
	s10 =	smov.u32 s17  }
0x29: {  	s18 =	smov.u32 @p3 s2;
	s14 =	smov.u32 s12;
	[sflag:s19] =	ssyncadd.s32 @!p1 $0xFFFFC000  }
0x2a: {  	s11 =	smov.u32 s18;
	s13 =	sadd.s32 $0x1, s13;
	s12 =	smov.u32 s20  }
.LBB1_1:
0x2b: {  	p1 =	sge.u32 s13, s6  }
0x2c: {  	s17 =	sshrl.u32 @!p1 s11, $0x3  }
0x2d: {  	s18 =	sshll.u32 @!p1 s10, $0x3;
	s17 =	smul.u32 @!p1 $0x2800, s17  }
0x2e: {  	s19 =	sshll.u32 @!p1 s11, $0x7;
	s18 =	sand.u32 @!p1 $0xFFFFFC00, s18  }
0x2f: {  	s17 =	sadd.s32 @!p1 s17, s18;
	s18 =	sand.u32 @!p1 $0x380, s19  }
0x30: {  	s17 =	sor.u32 @!p1 s18, s17  }
0x31: {  	s18 =	sand.u32 @!p1 $0x7F, s10;
	s19 =	smulhi.u32 @!p1 $0xCCCCCCCD, s17  }
0x32: {  	s17 =	sor.u32 @!p1 s18, s17  }
0x33: {  	s18 =	smulhi.u32 @!p1 $0xCCCCCCCD, s17;
	s19 =	sshrl.u32 @!p1 s19, $0xA  }
0x34: {  	s20 =	smulhi.u32 @!p1 $0x333334, s19;
	_ =	sdelay $0x1  }
0x35: {  	s18 =	sshrl.u32 @!p1 s18, $0xA;
	s20 =	smul.u32 @!p1 $0x500, s20  }
0x36: {  	s31 =	sadd.s32 $0xFFFFFFFF, s13;
	s18 =	smul.u32 @!p1 $0x500, s18  }
0x37: {  	s21 =	sxor.u32 @!p1 $0xFFFFFFFF, s13;
	s19 =	ssub.s32 @!p1 s19, s20;
	s20 =	smul.u32 @!p1 $0x32000, s12  }
0x38: {  	s21 =	sshll.u32 @!p1 s21, $0xE;
	s17 =	ssub.s32 @!p1 s17, s18;
	s18 =	smul.u32 @!p1 $0xA0, s19  }
0x39: {  	s19 =	sand.u32 @!p1 $0x4000, s21;
	s21 =	sand.u32 @!p1 $0x7, s17;
	s20 =	sadd.s32 @!p1 s3, s20  }
0x3a: {  	s17 =	sshrl.u32 @!p1 s17, $0x3;
	s18 =	sadd.s32 @!p1 s18, s20;
	s20 =	sshll.u32 @!p1 s21, $0x12  }
0x3b: {  	s17 =	sadd.s32 @!p1 s17, s18;
	s18 =	sor.u32 @!p1 $0x400, s20;
	s20 =	simm.s32 @!p1 $0x2800  }
0x3c: {  	[tilespmem:s19], [sflag:$0x1] =	stream.strided.gather @!p1 [hbm4b:s17+s18], $0x4000, s20, s18, $0x38;
	[tilespmem:$0x10100] =	vst v63  }
0x3d: {  	p1 =	sge.u32 s31, s6  }
.Ltmp2:
0x3e: {  	_ = 	snop;
	(pc) =	sbr.rel @p1 .LBB1_5-.Ltmp2, $1  }
0x3f: {  	_ =	sdelay $0x3  }
0x40: {  	s17 =	simm.s32 $0x1  }
0x41: {  	_ =	swait.ge [sflag:s5], $0x4000;
	s17 =	simm.s32 @!p0 $0x0  }
0x42: {  	[sflag:s5] =	ssyncset.done $0x0;
	s18 =	sshll.u32 s17, $0xE  }
0x43: {  	[sflag:s5] =	ssyncadd.s32 $0xFFFFC000;
	s20 =	sor.u32 $0x40, s18  }
0x44: {  	s17 =	smul.u32 $0x10200, s17;
	v0 =	vld [tilespmem:s20+$0x30]  }
0x45: {  	v1 =	vld [tilespmem:s20+$0xFFFFFFD0]  }
0x46: {  	s17 =	sshrl.u32 s17, $0x2;
	v5 =	vld [tilespmem:s20+$0xFFFFFFE0]  }
0x47: {  	v6 =	vld [tilespmem:s20+$0xFFFFFFF0];
	s18 =	sor.u32 $0x8000, s17  }
0x48: {  	s31 =	sand.u32 $0x1, s13;
	v4 =	vld [tilespmem:s20+$0x0];
	s19 =	sadd.s32 $0x0, s18  }
0x49: {  	v3 =	vld [tilespmem:s20+$0x10];
	s17 =	smul.u32 $0x10200, s31;
	[tilespmem:s19+$0x3870 ss:$0x81] =	vst.msk $0xffff, v0  }
0x4a: {  	v2 =	vld [tilespmem:s20+$0x20];
	[tilespmem:s19+$0x810 ss:$0x81] =	vst.msk $0xffff, v1  }
0x4b: {  	s17 =	sshrl.u32 s17, $0x2;
	v0 =	vld [tilespmem:s20+$0xFFFFFFC0];
	[tilespmem:s19+$0x1020 ss:$0x81] =	vst.msk $0xffff, v5;
	s20 =	sadd.s32 $0x80, s20  }
0x4c: {  	s21 =	simm.s32 $0x4;
	s22 =	simm.s32 $0x8;
	s17 =	sor.u32 $0x8000, s17;
	[tilespmem:s19+$0x1830 ss:$0x81] =	vst.msk $0xffff, v6;
	v1 =	vld [tilespmem:s20+$0x30]  }
.LBB1_3:
0x4d: {  	p1 =	sne.s32 s22, $0x1FC;
	v5 =	vld [tilespmem:s20+$0xFFFFFFD0];
	[tilespmem:s19+$0x2040 ss:$0x81] =	vst.msk $0xffff, v4  }
0x4e: {  	v6 =	vld [tilespmem:s20+$0xFFFFFFE0];
	[tilespmem:s19+$0x2850 ss:$0x81] =	vst.msk $0xffff, v3  }
0x4f: {  	s23 =	sshra.s32 s21, $0x2;
	s21 =	smov.u32 s22;
	v7 =	vld [tilespmem:s20+$0xFFFFFFF0];
	[tilespmem:s19+$0x3060 ss:$0x81] =	vst.msk $0xffff, v2  }
.Ltmp3:
0x50: {  	v4 =	vld [tilespmem:s20+$0x0];
	[tilespmem:s19+$0x0 ss:$0x81] =	vst.msk $0xffff, v0;
	s19 =	sadd.s32 s23, s18;
	(pc) =	sbr.rel @p1 .LBB1_3-.Ltmp3, $4  }
0x51: {  	v3 =	vld [tilespmem:s20+$0x10];
	[tilespmem:s19+$0x3870 ss:$0x81] =	vst.msk $0xffff, v1  }
0x52: {  	[tilespmem:s19+$0x810 ss:$0x81] =	vst.msk $0xffff, v5;
	v2 =	vld [tilespmem:s20+$0x20]  }
0x53: {  	v0 =	vld [tilespmem:s20+$0xFFFFFFC0];
	[tilespmem:s19+$0x1020 ss:$0x81] =	vst.msk $0xffff, v6;
	s20 =	sadd.s32 $0x80, s20  }
0x54: {  	s22 =	sadd.s32 $0x4, s22;
	v1 =	vld [tilespmem:s20+$0x30];
	[tilespmem:s19+$0x1830 ss:$0x81] =	vst.msk $0xffff, v7  }
.Ltmp4:
0x55: {  	_ = 	snop;
	(pc) =	sbr.rel .LBB1_4-.Ltmp4, $1  }
0x56: {  	_ =	sdelay $0x3  }
.LBB1_6:
0x57: {  	_ =	sfence.sel $0x180000  }
0x58: {  	s2 =	simm.s32 $0x1;
	[bflag:$0x0] =	sbarrier.arrive $0xFFFF  }
0x59: {  	s31 =	simm.s32 $0x2;
	[sflag:s2] =	ssyncpa.u1 $0x1  }
0x5a: {  	[sflag:s31] =	ssyncpa.u1 $0x1  }
0x5b: {  	p0 =	sne.s32 s0, $0x0;
	_ =	strace $0x9000004D  }
0x5c: {  	s0 =	sadd.s32 @!p0 $0x100000, s1;
	[bflag:$0x2] =	sbarrier.arrive $0xFFFF  }
0x5d: {  	[sflag:s0] =	ssyncadd.tile.s32 @!p0 $0x1;
	_ =	shalt  }
.Lfunc_end1:
_tile_overlayer_lowered:
.L_overlay_start_2:
0x5e: {  	(tag) =	ssettag $0x2  }
0x5f: {  	s0 =	rddreg [dreg:$0x0];
	s2 =	stileid.u32  }
0x60: {  	s1 =	rddreg [dreg:$0x1];
	p0 =	sne.s32 s2, $0x0  }
0x61: {  	s3 =	rddreg [dreg:$0x2];
	[bflag:$0x3] =	sbarrier.arrive $0xFFFF;
	s2 =	simm.s32 @!p0 $0x1C01  }
0x62: {  	[timem:s3], [sflag:s2] =	dma.local @!p0 [hbm:s0], s1  }
0x63: {  	s0 =	simm.s32 @!p0 $0x1  }
0x64: {  	_ =	swait.ge @!p0 [sflag:s0], s1  }
0x65: {  	s1 =	ssub.s32 @!p0 $0x0, s1;
	[sflag:s0] =	ssyncset.done @!p0 $0x0  }
0x66: {  	[sflag:s0] =	ssyncadd.s32 @!p0 s1  }
0x67: {  	[bflag:$0x3] =	sbarrier.arrive $0xFFFF  }
0x68: {  	_ =	shalt  }

// kernel: sparse-core-data-format-call.3.cloned.1.call-start
scs
called_computation.3_lowered:
.L_overlay_start_0:
0x0: {  	s2 =	sld [smem:$0x3FD9]  }
0x1: {  	s3 =	sld [smem:$0x3FFE];
	_ =	sdelay $0x1  }
0x2: {  	s1 =	srdreg.scid  }
0x3: {  	s0 =	sand.u32 $0x1, s1  }
0x4: {  	s18 =	sshll.u32 s0, $0xA;
	s2 =	sadd.s32 s3, s2  }
0x5: {  	s2 =	sadd.s32 s2, s18  }
0x6: {  	[smem:$0x3F2F] =	sst s2  }
0x7: {  	_ = 	snop  }
0x8: {  	(tm) =	ssettm $0x1  }
0x9: {  	s19 =	sld [smem:$0x3FFB];
	_ =	sdelay $0x3  }
0xa: {  	_ =	strace s19  }
0xb: {  	s2 =	sld [smem:$0x3FFC];
	_ =	sdelay $0x3  }
0xc: {  	_ =	strace s2  }
0xd: {  	s2 =	sld [smem:$0x3FFD];
	_ =	sdelay $0x3  }
0xe: {  	_ =	strace s2  }
0xf: {  	_ =	strace $0x8FFFFFFF  }
0x10: {  	s20 =	sld [smem:$0x3FDB];
	_ =	sdelay $0x1  }
0x11: {  	s21 =	simm.s32 $_scs_section_size  }
0x12: {  	s4 =	simm.s32 $_size__tile_overlayer_lowered;
	s5 =	simm.s32 $_tile_overlayer_lowered  }
0x13: {  	s6 =	simm.s32 $0x1BFF;
	s22 =	sshll.u32 s5, $0x1;
	s3 =	sadd.s32 s21, s20  }
0x14: {  	s23 =	simm.s32 $0x0;
	s4 =	sshll.u32 s4, $0x1;
	s5 =	sadd.s32 s22, s3  }
0x15: {  	[timem:s23], [sflag:s6] =	dma.local [hbm:s5], s4  }
0x16: {  	_ =	swait.ge [sflag:s6], s4  }
0x17: {  	s4 =	ssub.s32 $0x0, s4;
	[sflag:s6] =	ssyncset.done $0x0  }
0x18: {  	[sflag:s6] =	ssyncadd.s32 s4;
	_ =	sdelay $0x1  }
0x19: {  	s24 =	simm.s32 $0x1B8B  }
0x1a: {  	_ =	swait.ge [sflag:s24], $0x1  }
0x1b: {  	[sflag:s24] =	ssyncset.done $0x0  }
0x1c: {  	[sflag:s24] =	ssyncadd.s32 $0xFFFFFFFF  }
0x1d: {  	s4 =	sld [smem:$0x0]  }
0x1e: {  	s5 =	sand.u32 $0xFFFFFFFE, s1  }
0x1f: {  	p0 =	sne.s32 s1, s5  }
0x20: {  	s5 =	sshll.u32 @p0 s5, $0xE  }
0x21: {  	s5 =	sadd.s32 @p0 $0x11B8D, s5;
	s6 =	sshll.u32 @p0 s4, $0x11  }
0x22: {  	s5 =	sor.u32 @p0 s6, s5  }
0x23: {  	[sflag:s5] =	ssyncadd.remote.s32 @p0 $0x1;
	_ =	sdelay $0x1  }
0x24: {  	s5 =	simm.s32 @p0 $0x1B8D  }
0x25: {  	_ =	swait.eq @p0 [sflag:s5], $0x1  }
0x26: {  	[sflag:s5] =	ssyncadd.s32 @p0 $0xFFFFFFFF  }
0x27: {  	s6 =	sshll.u32 @!p0 s1, $0xE  }
0x28: {  	s6 =	sor.u32 @!p0 $0x4000, s6;
	s5 =	simm.s32 @!p0 $0x1B8D  }
0x29: {  	s4 =	sshll.u32 @!p0 s4, $0x11;
	s6 =	sadd.s32 @!p0 $0x11B8D, s6;
	_ =	swait.eq @!p0 [sflag:s5], $0x1  }
0x2a: {  	s4 =	sor.u32 @!p0 s4, s6;
	[sflag:s5] =	ssyncadd.s32 @!p0 $0xFFFFFFFF  }
0x2b: {  	s26 =	simm.s32 $0x1B8E;
	s25 =	sld [smem:$0x3FFE];
	[sflag:s4] =	ssyncadd.remote.s32 @!p0 $0x1  }
0x2c: {  	s27 =	simm.s32 $execute0_lowered;
	[smem:$0x3FD2] =	sst s26  }
0x2d: {  	s5 =	sshll.u32 s27, $0x1;
	_ =	strace $0x80000049;
	[dreg:$0x1] =	wrdreg $0xFFFFFFFF  }
0x2e: {  	s28 =	simm.s32 $_size_execute0_lowered;
	s3 =	sadd.s32 s3, s5;
	[dreg:$0x0] =	wrdreg $0x0  }
0x2f: {  	s5 =	sshll.u32 s28, $0x1;
	[dreg:$0x2] =	wrdreg s3  }
0x30: {  	[dreg:$0x3] =	wrdreg s5  }
0x31: {  	[dreg:$0x4] =	wrdreg $0xC0  }
0x32: {  	_ =	task [dreg:s23], $0x5FFFF  }
0x33: {  	[dreg:$0x1] =	wrdreg $0xFFFFFFFF  }
0x34: {  	[dreg:$0x0] =	wrdreg $0x60  }
0x35: {  	[dreg:$0x2] =	wrdreg s25  }
0x36: {  	[dreg:$0x3] =	wrdreg $0xA  }
0x37: {  	_ =	task.clear_ibuf [dreg:s23], $0x4FFFF;
	_ =	strace $0x90000049  }
0x38: {  	s29 =	simm.s32 $0xA;
	_ =	strace $0x8000004B  }
0x39: {  	_ =	swait.ge [sflag:s29], $0x1  }
0x3a: {  	[sflag:s29] =	ssyncadd.s32 $0xFFFFFFFF  }
0x3b: {  	_ =	strace $0x9000004B  }
0x3c: {  	_ =	sfence  }
0x3d: {  	s30 =	sld [smem:$0x0];
	_ =	sdelay $0x2  }
0x3e: {  	s31 =	sshll.u32 s1, $0xD;
	s1 =	sshrl.u32 s1, $0x2  }
0x3f: {  	s4 =	sand.u32 $0x4000, s31;
	s1 =	sadd.s32 s1, s30  }
0x40: {  	s0 =	sor.u32 s4, s0;
	s1 =	sshll.u32 s1, $0x11  }
0x41: {  	s0 =	sor.u32 s1, s0  }
0x42: {  	s0 =	sadd.s32 $0x8F2B, s0  }
0x43: {  	[sflag:s0] =	ssyncadd.remote.s32 $0x1  }
0x44: {  	_ =	sfence.sel $0xFFFF  }
0x45: {  	[dreg:$0x0] =	wrdreg $0xFFFFFFFF;
	(pc) =	sbr.abs _section_cstart, $3  }
0x46: {  	[dreg:$0x1] =	wrdreg $0xFFFFFFFF  }
0x47: {  	_ =	task.clear_ibuf [dreg:s23], $0x2FFFF;
	_ =	strace $0x9FFFFFFF  }
0x48: {  	(tm) =	ssettm $0x7FFFFFFF  }
0x49: {  	_ =	shalt  }
tec
execute0_lowered:
.L_overlay_start_1:
0x0: {  	(tag) =	ssettag $0x1  }
0x1: {  	s0 =	stileid.u32;
	s1 =	srdreg.scid  }
0x2: {  	s4 =	rddreg [dreg:$0x0];
	s2 =	sshll.u32 s0, $0x4;
	s1 =	sshll.u32 s1, $0x8  }
0x3: {  	s5 =	simm.s32 $0x1;
	s8 =	simm.s32 $0x2;
	s1 =	sor.u32 s2, s1  }
0x4: {  	s16 =	simm.s32 $0x0;
	s9 =	simm.s32 $0x2800;
	s2 =	sand.u32 $0x180, s1  }
0x5: {  	s15 =	simm.s32 $0x0;
	s14 =	simm.s32 $0x0;
	s3 =	ssub.s32 $0x500, s2  }
0x6: {  	s10 =	simm.s32 $0x0;
	s7 =	sand.u32 $0x7, s0;
	s31 =	sand.u32 $0x180, s3  }
0x7: {  	s13 =	simm.s32 $0x0;
	s12 =	smov.u32 s7;
	p0 =	sne.s32 s31, $0x0  }
.Ltmp0:
0x8: {  	s6 =	sshrl.u32 s3, $0x9;
	s5 =	simm.s32 @!p0 $0x0;
	(pc) =	sbr.rel .LBB1_1-.Ltmp0, $4  }
0x9: {  	s1 =	rddreg [dreg:$0x1];
	_ =	strace $0x8000004A;
	s6 =	sadd.s32 s5, s6  }
0xa: {  	s11 =	smov.u32 s2;
	s5 =	simm.s32 $0x1;
	s6 =	smul.u32 $0xA, s6  }
0xb: {  	s3 =	sadd.s32 $0x371000, s4;
	s4 =	sadd.s32 $0x501000, s4;
	[sflag:s5] =	ssyncpa.u1 $0x0  }
0xc: {  	p0 =	por $0x0, $0x0;
	[sflag:s8] =	ssyncpa.u1 $0x0;
	s8 =	sor.u32 $0x1, s6  }
.LBB1_4:
0xd: {  	s22 =	sshrl.u32 s16, $0x3  }
0xe: {  	s23 =	sshll.u32 s15, $0x3;
	s22 =	smul.u32 $0x2800, s22  }
0xf: {  	s24 =	sshll.u32 s16, $0x7;
	s23 =	sand.u32 $0xFFFFFC00, s23  }
0x10: {  	s16 =	sand.u32 $0x380, s24;
	s22 =	sadd.s32 s23, s22  }
0x11: {  	s16 =	sor.u32 s16, s22  }
0x12: {  	v5 =	vld [tilespmem:s20+$0xFFFFFFD0];
	[tilespmem:s19+$0x2040 ss:$0x81] =	vst.msk $0xffff, v4;
	s25 =	sand.u32 $0x7F, s15;
	s22 =	smulhi.u32 $0xCCCCCCCD, s16  }
0x13: {  	v58 =	vld [tilespmem:s20+$0xFFFFFFE0];
	[tilespmem:s19+$0x2850 ss:$0x81] =	vst.msk $0xffff, v3;
	s15 =	sor.u32 s25, s16  }
0x14: {  	s26 =	sshra.s32 s21, $0x2;
	v59 =	vld [tilespmem:s20+$0xFFFFFFF0];
	[tilespmem:s19+$0x3060 ss:$0x81] =	vst.msk $0xffff, v2;
	s27 =	smulhi.u32 $0xCCCCCCCD, s15;
	s22 =	sshrl.u32 s22, $0xA  }
0x15: {  	v60 =	vld [tilespmem:s20+$0x0];
	[tilespmem:s19+$0x0 ss:$0x81] =	vst.msk $0xffff, v0;
	s16 =	sadd.s32 s26, s18;
	s28 =	smulhi.u32 $0x333334, s22  }
0x16: {  	v61 =	vld [tilespmem:s20+$0x10];
	[tilespmem:s16+$0x3870 ss:$0x81] =	vst.msk $0xffff, v1  }
0x17: {  	v62 =	vld [tilespmem:s20+$0x20];
	[tilespmem:s16+$0x810 ss:$0x81] =	vst.msk $0xffff, v5;
	s29 =	sshrl.u32 s27, $0xA;
	s18 =	smul.u32 $0x500, s28  }
0x18: {  	v63 =	vld [tilespmem:s20+$0xFFFFFFC0];
	[tilespmem:s16+$0x1020 ss:$0x81] =	vst.msk $0xffff, v58;
	s19 =	smul.u32 $0x500, s29  }
0x19: {  	s14 =	smul.u32 $0x32000, s14;
	[tilespmem:s16+$0x1830 ss:$0x81] =	vst.msk $0xffff, v59;
	s18 =	ssub.s32 s22, s18  }
0x1a: {  	[tilespmem:s16+$0x2040 ss:$0x81] =	vst.msk $0xffff, v60;
	s15 =	ssub.s32 s15, s19;
	s18 =	smul.u32 $0xA0, s18  }
0x1b: {  	s14 =	sadd.s32 s4, s14;
	[tilespmem:s16+$0x2850 ss:$0x81] =	vst.msk $0xffff, v61;
	s19 =	sand.u32 $0x7, s15  }
0x1c: {  	[tilespmem:s16+$0x3060 ss:$0x81] =	vst.msk $0xffff, v62;
	s15 =	sshrl.u32 s15, $0x3;
	s30 =	sshll.u32 s19, $0x12;
	s14 =	sadd.s32 s18, s14  }
0x1d: {  	[tilespmem:s16+$0x0 ss:$0x81] =	vst.msk $0xffff, v63;
	s31 =	sor.u32 $0x400, s30;
	s14 =	sadd.s32 s15, s14  }
0x1e: {  	[hbm4b:s14+s31] =	stream.strided.scatter [tilespmem:s17], [sflag:$0x2], $0x4000, s9, s31, $0x20;
	[tilespmem:$0x10100] =	vst v63  }
.LBB1_5:
0x1f: {  	s17 =	sadd.s32 $0x80, s10  }
0x20: {  	s14 =	sadd.s32 $0x200, s11;
	s18 =	smov.u32 s11;
	p2 =	sgt.s32 s17, $0x4FF  }
0x21: {  	s18 =	smov.u32 @p2 s14  }
0x22: {  	s20 =	smov.u32 s12;
	s14 =	sadd.s32 $0x8, s12;
	p3 =	sgt.s32 s18, $0x4FF  }
0x23: {  	s20 =	smov.u32 @p3 s14  }
0x24: {  	s17 =	simm.s32 @p2 $0x0;
	p2 =	sgt.s32 s20, $0x7  }
0x25: {  	p1 =	slt.u32 s13, $0x2;
	s20 =	smov.u32 @p2 s7;
	p2 =	sne.s32 s13, s8  }
.Ltmp1:
0x26: {  	s19 =	simm.s32 @!p1 $0x2;
	(pc) =	sbr.rel @!p2 .LBB1_6-.Ltmp1, $4  }
0x27: {  	s16 =	smov.u32 s10;
	s15 =	smov.u32 s11;
	_ =	swait.ge @!p1 [sflag:s19], $0x4000  }
0x28: {  	p0 =	por !p0, !p0;
	[sflag:s19] =	ssyncset.done @!p1 $0x0;
	s10 =	smov.u32 s17  }
0x29: {  	s18 =	smov.u32 @p3 s2;
	s14 =	smov.u32 s12;
	[sflag:s19] =	ssyncadd.s32 @!p1 $0xFFFFC000  }
0x2a: {  	s11 =	smov.u32 s18;
	s13 =	sadd.s32 $0x1, s13;
	s12 =	smov.u32 s20  }
.LBB1_1:
0x2b: {  	p1 =	sge.u32 s13, s6  }
0x2c: {  	s17 =	sshrl.u32 @!p1 s11, $0x3  }
0x2d: {  	s18 =	sshll.u32 @!p1 s10, $0x3;
	s17 =	smul.u32 @!p1 $0x2800, s17  }
0x2e: {  	s19 =	sshll.u32 @!p1 s11, $0x7;
	s18 =	sand.u32 @!p1 $0xFFFFFC00, s18  }
0x2f: {  	s17 =	sadd.s32 @!p1 s17, s18;
	s18 =	sand.u32 @!p1 $0x380, s19  }
0x30: {  	s17 =	sor.u32 @!p1 s18, s17  }
0x31: {  	s18 =	sand.u32 @!p1 $0x7F, s10;
	s19 =	smulhi.u32 @!p1 $0xCCCCCCCD, s17  }
0x32: {  	s17 =	sor.u32 @!p1 s18, s17  }
0x33: {  	s18 =	smulhi.u32 @!p1 $0xCCCCCCCD, s17;
	s19 =	sshrl.u32 @!p1 s19, $0xA  }
0x34: {  	s20 =	smulhi.u32 @!p1 $0x333334, s19;
	_ =	sdelay $0x1  }
0x35: {  	s18 =	sshrl.u32 @!p1 s18, $0xA;
	s20 =	smul.u32 @!p1 $0x500, s20  }
0x36: {  	s31 =	sadd.s32 $0xFFFFFFFF, s13;
	s18 =	smul.u32 @!p1 $0x500, s18  }
0x37: {  	s21 =	sxor.u32 @!p1 $0xFFFFFFFF, s13;
	s19 =	ssub.s32 @!p1 s19, s20;
	s20 =	smul.u32 @!p1 $0x32000, s12  }
0x38: {  	s21 =	sshll.u32 @!p1 s21, $0xE;
	s17 =	ssub.s32 @!p1 s17, s18;
	s18 =	smul.u32 @!p1 $0xA0, s19  }
0x39: {  	s19 =	sand.u32 @!p1 $0x4000, s21;
	s21 =	sand.u32 @!p1 $0x7, s17;
	s20 =	sadd.s32 @!p1 s3, s20  }
0x3a: {  	s17 =	sshrl.u32 @!p1 s17, $0x3;
	s18 =	sadd.s32 @!p1 s18, s20;
	s20 =	sshll.u32 @!p1 s21, $0x12  }
0x3b: {  	s17 =	sadd.s32 @!p1 s17, s18;
	s18 =	sor.u32 @!p1 $0x400, s20;
	s20 =	simm.s32 @!p1 $0x2800  }
0x3c: {  	[tilespmem:s19], [sflag:$0x1] =	stream.strided.gather @!p1 [hbm4b:s17+s18], $0x4000, s20, s18, $0x38;
	[tilespmem:$0x10100] =	vst v63  }
0x3d: {  	p1 =	sge.u32 s31, s6  }
.Ltmp2:
0x3e: {  	_ = 	snop;
	(pc) =	sbr.rel @p1 .LBB1_5-.Ltmp2, $1  }
0x3f: {  	_ =	sdelay $0x3  }
0x40: {  	s17 =	simm.s32 $0x1  }
0x41: {  	_ =	swait.ge [sflag:s5], $0x4000;
	s17 =	simm.s32 @!p0 $0x0  }
0x42: {  	[sflag:s5] =	ssyncset.done $0x0;
	s18 =	sshll.u32 s17, $0xE  }
0x43: {  	[sflag:s5] =	ssyncadd.s32 $0xFFFFC000;
	s20 =	sor.u32 $0x40, s18  }
0x44: {  	s17 =	smul.u32 $0x10200, s17;
	v0 =	vld [tilespmem:s20+$0x30]  }
0x45: {  	v1 =	vld [tilespmem:s20+$0xFFFFFFD0]  }
0x46: {  	s17 =	sshrl.u32 s17, $0x2;
	v5 =	vld [tilespmem:s20+$0xFFFFFFE0]  }
0x47: {  	v6 =	vld [tilespmem:s20+$0xFFFFFFF0];
	s18 =	sor.u32 $0x8000, s17  }
0x48: {  	s31 =	sand.u32 $0x1, s13;
	v4 =	vld [tilespmem:s20+$0x0];
	s19 =	sadd.s32 $0x0, s18  }
0x49: {  	v3 =	vld [tilespmem:s20+$0x10];
	s17 =	smul.u32 $0x10200, s31;
	[tilespmem:s19+$0x3870 ss:$0x81] =	vst.msk $0xffff, v0  }
0x4a: {  	v2 =	vld [tilespmem:s20+$0x20];
	[tilespmem:s19+$0x810 ss:$0x81] =	vst.msk $0xffff, v1  }
0x4b: {  	s17 =	sshrl.u32 s17, $0x2;
	v0 =	vld [tilespmem:s20+$0xFFFFFFC0];
	[tilespmem:s19+$0x1020 ss:$0x81] =	vst.msk $0xffff, v5;
	s20 =	sadd.s32 $0x80, s20  }
0x4c: {  	s21 =	simm.s32 $0x4;
	s22 =	simm.s32 $0x8;
	s17 =	sor.u32 $0x8000, s17;
	[tilespmem:s19+$0x1830 ss:$0x81] =	vst.msk $0xffff, v6;
	v1 =	vld [tilespmem:s20+$0x30]  }
.LBB1_3:
0x4d: {  	p1 =	sne.s32 s22, $0x1FC;
	v5 =	vld [tilespmem:s20+$0xFFFFFFD0];
	[tilespmem:s19+$0x2040 ss:$0x81] =	vst.msk $0xffff, v4  }
0x4e: {  	v6 =	vld [tilespmem:s20+$0xFFFFFFE0];
	[tilespmem:s19+$0x2850 ss:$0x81] =	vst.msk $0xffff, v3  }
0x4f: {  	s23 =	sshra.s32 s21, $0x2;
	s21 =	smov.u32 s22;
	v7 =	vld [tilespmem:s20+$0xFFFFFFF0];
	[tilespmem:s19+$0x3060 ss:$0x81] =	vst.msk $0xffff, v2  }
.Ltmp3:
0x50: {  	v4 =	vld [tilespmem:s20+$0x0];
	[tilespmem:s19+$0x0 ss:$0x81] =	vst.msk $0xffff, v0;
	s19 =	sadd.s32 s23, s18;
	(pc) =	sbr.rel @p1 .LBB1_3-.Ltmp3, $4  }
0x51: {  	v3 =	vld [tilespmem:s20+$0x10];
	[tilespmem:s19+$0x3870 ss:$0x81] =	vst.msk $0xffff, v1  }
0x52: {  	[tilespmem:s19+$0x810 ss:$0x81] =	vst.msk $0xffff, v5;
	v2 =	vld [tilespmem:s20+$0x20]  }
0x53: {  	v0 =	vld [tilespmem:s20+$0xFFFFFFC0];
	[tilespmem:s19+$0x1020 ss:$0x81] =	vst.msk $0xffff, v6;
	s20 =	sadd.s32 $0x80, s20  }
0x54: {  	s22 =	sadd.s32 $0x4, s22;
	v1 =	vld [tilespmem:s20+$0x30];
	[tilespmem:s19+$0x1830 ss:$0x81] =	vst.msk $0xffff, v7  }
.Ltmp4:
0x55: {  	_ = 	snop;
	(pc) =	sbr.rel .LBB1_4-.Ltmp4, $1  }
0x56: {  	_ =	sdelay $0x3  }
.LBB1_6:
0x57: {  	_ =	sfence.sel $0x180000  }
0x58: {  	s2 =	simm.s32 $0x1;
	[bflag:$0x0] =	sbarrier.arrive $0xFFFF  }
0x59: {  	s31 =	simm.s32 $0x2;
	[sflag:s2] =	ssyncpa.u1 $0x1  }
0x5a: {  	[sflag:s31] =	ssyncpa.u1 $0x1  }
0x5b: {  	p0 =	sne.s32 s0, $0x0;
	_ =	strace $0x9000004A  }
0x5c: {  	s0 =	sadd.s32 @!p0 $0x100000, s1;
	[bflag:$0x2] =	sbarrier.arrive $0xFFFF  }
0x5d: {  	[sflag:s0] =	ssyncadd.tile.s32 @!p0 $0x1;
	_ =	shalt  }
.Lfunc_end1:
_tile_overlayer_lowered:
.L_overlay_start_2:
0x5e: {  	(tag) =	ssettag $0x2  }
0x5f: {  	s0 =	rddreg [dreg:$0x0];
	s2 =	stileid.u32  }
0x60: {  	s1 =	rddreg [dreg:$0x1];
	p0 =	sne.s32 s2, $0x0  }
0x61: {  	s3 =	rddreg [dreg:$0x2];
	[bflag:$0x3] =	sbarrier.arrive $0xFFFF;
	s2 =	simm.s32 @!p0 $0x1C01  }
0x62: {  	[timem:s3], [sflag:s2] =	dma.local @!p0 [hbm:s0], s1  }
0x63: {  	s0 =	simm.s32 @!p0 $0x1  }
0x64: {  	_ =	swait.ge @!p0 [sflag:s0], s1  }
0x65: {  	s1 =	ssub.s32 @!p0 $0x0, s1;
	[sflag:s0] =	ssyncset.done @!p0 $0x0  }
0x66: {  	[sflag:s0] =	ssyncadd.s32 @!p0 s1  }
0x67: {  	[bflag:$0x3] =	sbarrier.arrive $0xFFFF  }
0x68: {  	_ =	shalt  }

// kernel: sparse-core-data-format-call.cloned.1.call-start
scs
called_computation_lowered:
.L_overlay_start_0:
0x0: {  	s2 =	sld [smem:$0x3FD9]  }
0x1: {  	s3 =	sld [smem:$0x3FFE];
	_ =	sdelay $0x1  }
0x2: {  	s1 =	srdreg.scid  }
0x3: {  	s0 =	sand.u32 $0x1, s1  }
0x4: {  	s18 =	sshll.u32 s0, $0xA;
	s2 =	sadd.s32 s3, s2  }
0x5: {  	s2 =	sadd.s32 s2, s18  }
0x6: {  	[smem:$0x3F2F] =	sst s2  }
0x7: {  	_ = 	snop  }
0x8: {  	(tm) =	ssettm $0x1  }
0x9: {  	s19 =	sld [smem:$0x3FFB];
	_ =	sdelay $0x3  }
0xa: {  	_ =	strace s19  }
0xb: {  	s2 =	sld [smem:$0x3FFC];
	_ =	sdelay $0x3  }
0xc: {  	_ =	strace s2  }
0xd: {  	s2 =	sld [smem:$0x3FFD];
	_ =	sdelay $0x3  }
0xe: {  	_ =	strace s2  }
0xf: {  	_ =	strace $0x8FFFFFFF  }
0x10: {  	s20 =	sld [smem:$0x3FDB];
	_ =	sdelay $0x1  }
0x11: {  	s21 =	simm.s32 $_scs_section_size  }
0x12: {  	s4 =	simm.s32 $_size__tile_overlayer_lowered;
	s5 =	simm.s32 $_tile_overlayer_lowered  }
0x13: {  	s6 =	simm.s32 $0x1BFF;
	s22 =	sshll.u32 s5, $0x1;
	s3 =	sadd.s32 s21, s20  }
0x14: {  	s23 =	simm.s32 $0x0;
	s4 =	sshll.u32 s4, $0x1;
	s5 =	sadd.s32 s22, s3  }
0x15: {  	[timem:s23], [sflag:s6] =	dma.local [hbm:s5], s4  }
0x16: {  	_ =	swait.ge [sflag:s6], s4  }
0x17: {  	s4 =	ssub.s32 $0x0, s4;
	[sflag:s6] =	ssyncset.done $0x0  }
0x18: {  	[sflag:s6] =	ssyncadd.s32 s4;
	_ =	sdelay $0x1  }
0x19: {  	s24 =	simm.s32 $0x1B8B  }
0x1a: {  	_ =	swait.ge [sflag:s24], $0x1  }
0x1b: {  	[sflag:s24] =	ssyncset.done $0x0  }
0x1c: {  	[sflag:s24] =	ssyncadd.s32 $0xFFFFFFFF  }
0x1d: {  	s4 =	sld [smem:$0x0]  }
0x1e: {  	s5 =	sand.u32 $0xFFFFFFFE, s1  }
0x1f: {  	p0 =	sne.s32 s1, s5  }
0x20: {  	s5 =	sshll.u32 @p0 s5, $0xE  }
0x21: {  	s5 =	sadd.s32 @p0 $0x11B8D, s5;
	s6 =	sshll.u32 @p0 s4, $0x11  }
0x22: {  	s5 =	sor.u32 @p0 s6, s5  }
0x23: {  	[sflag:s5] =	ssyncadd.remote.s32 @p0 $0x1;
	_ =	sdelay $0x1  }
0x24: {  	s5 =	simm.s32 @p0 $0x1B8D  }
0x25: {  	_ =	swait.eq @p0 [sflag:s5], $0x1  }
0x26: {  	[sflag:s5] =	ssyncadd.s32 @p0 $0xFFFFFFFF  }
0x27: {  	s6 =	sshll.u32 @!p0 s1, $0xE  }
0x28: {  	s6 =	sor.u32 @!p0 $0x4000, s6;
	s5 =	simm.s32 @!p0 $0x1B8D  }
0x29: {  	s4 =	sshll.u32 @!p0 s4, $0x11;
	s6 =	sadd.s32 @!p0 $0x11B8D, s6;
	_ =	swait.eq @!p0 [sflag:s5], $0x1  }
0x2a: {  	s4 =	sor.u32 @!p0 s4, s6;
	[sflag:s5] =	ssyncadd.s32 @!p0 $0xFFFFFFFF  }
0x2b: {  	s26 =	simm.s32 $0x1B8E;
	s25 =	sld [smem:$0x3FFE];
	[sflag:s4] =	ssyncadd.remote.s32 @!p0 $0x1  }
0x2c: {  	s27 =	simm.s32 $execute0_lowered;
	[smem:$0x3FD2] =	sst s26  }
0x2d: {  	s5 =	sshll.u32 s27, $0x1;
	_ =	strace $0x8000004F;
	[dreg:$0x1] =	wrdreg $0xFFFFFFFF  }
0x2e: {  	s28 =	simm.s32 $_size_execute0_lowered;
	s3 =	sadd.s32 s3, s5;
	[dreg:$0x0] =	wrdreg $0x0  }
0x2f: {  	s5 =	sshll.u32 s28, $0x1;
	[dreg:$0x2] =	wrdreg s3  }
0x30: {  	[dreg:$0x3] =	wrdreg s5  }
0x31: {  	[dreg:$0x4] =	wrdreg $0xC0  }
0x32: {  	_ =	task [dreg:s23], $0x5FFFF  }
0x33: {  	[dreg:$0x1] =	wrdreg $0xFFFFFFFF  }
0x34: {  	[dreg:$0x0] =	wrdreg $0x60  }
0x35: {  	[dreg:$0x2] =	wrdreg s25  }
0x36: {  	[dreg:$0x3] =	wrdreg $0x9  }
0x37: {  	_ =	task.clear_ibuf [dreg:s23], $0x4FFFF;
	_ =	strace $0x9000004F  }
0x38: {  	s29 =	simm.s32 $0x9;
	_ =	strace $0x80000051  }
0x39: {  	_ =	swait.ge [sflag:s29], $0x1  }
0x3a: {  	[sflag:s29] =	ssyncadd.s32 $0xFFFFFFFF  }
0x3b: {  	_ =	strace $0x90000051  }
0x3c: {  	_ =	sfence  }
0x3d: {  	s30 =	sld [smem:$0x0];
	_ =	sdelay $0x2  }
0x3e: {  	s31 =	sshll.u32 s1, $0xD;
	s1 =	sshrl.u32 s1, $0x2  }
0x3f: {  	s4 =	sand.u32 $0x4000, s31;
	s1 =	sadd.s32 s1, s30  }
0x40: {  	s0 =	sor.u32 s4, s0;
	s1 =	sshll.u32 s1, $0x11  }
0x41: {  	s0 =	sor.u32 s1, s0  }
0x42: {  	s0 =	sadd.s32 $0x8F2B, s0  }
0x43: {  	[sflag:s0] =	ssyncadd.remote.s32 $0x1  }
0x44: {  	_ =	sfence.sel $0xFFFF  }
0x45: {  	[dreg:$0x0] =	wrdreg $0xFFFFFFFF;
	(pc) =	sbr.abs _section_cstart, $3  }
0x46: {  	[dreg:$0x1] =	wrdreg $0xFFFFFFFF  }
0x47: {  	_ =	task.clear_ibuf [dreg:s23], $0x2FFFF;
	_ =	strace $0x9FFFFFFF  }
0x48: {  	(tm) =	ssettm $0x7FFFFFFF  }
0x49: {  	_ =	shalt  }
tec
execute0_lowered:
.L_overlay_start_1:
0x0: {  	(tag) =	ssettag $0x1  }
0x1: {  	s0 =	stileid.u32;
	s1 =	srdreg.scid  }
0x2: {  	s4 =	rddreg [dreg:$0x0];
	s2 =	sshll.u32 s0, $0x4;
	s1 =	sshll.u32 s1, $0x8  }
0x3: {  	s5 =	simm.s32 $0x1;
	s8 =	simm.s32 $0x2;
	s1 =	sor.u32 s2, s1  }
0x4: {  	s16 =	simm.s32 $0x0;
	s9 =	simm.s32 $0x2800;
	s2 =	sand.u32 $0x180, s1  }
0x5: {  	s15 =	simm.s32 $0x0;
	s14 =	simm.s32 $0x0;
	s3 =	ssub.s32 $0x500, s2  }
0x6: {  	s10 =	simm.s32 $0x0;
	s7 =	sand.u32 $0x7, s0;
	s31 =	sand.u32 $0x180, s3  }
0x7: {  	s13 =	simm.s32 $0x0;
	s12 =	smov.u32 s7;
	p0 =	sne.s32 s31, $0x0  }
.Ltmp0:
0x8: {  	s6 =	sshrl.u32 s3, $0x9;
	s5 =	simm.s32 @!p0 $0x0;
	(pc) =	sbr.rel .LBB1_1-.Ltmp0, $4  }
0x9: {  	s1 =	rddreg [dreg:$0x1];
	_ =	strace $0x80000050;
	s6 =	sadd.s32 s5, s6  }
0xa: {  	s11 =	smov.u32 s2;
	s5 =	simm.s32 $0x1;
	s6 =	smul.u32 $0xA, s6  }
0xb: {  	s3 =	sadd.s32 $0x6E7C00, s4;
	s4 =	sadd.s32 $0x877C00, s4;
	[sflag:s5] =	ssyncpa.u1 $0x0  }
0xc: {  	p0 =	por $0x0, $0x0;
	[sflag:s8] =	ssyncpa.u1 $0x0;
	s8 =	sor.u32 $0x1, s6  }
.LBB1_4:
0xd: {  	s22 =	sshrl.u32 s16, $0x3  }
0xe: {  	s23 =	sshll.u32 s15, $0x3;
	s22 =	smul.u32 $0x2800, s22  }
0xf: {  	s24 =	sshll.u32 s16, $0x7;
	s23 =	sand.u32 $0xFFFFFC00, s23  }
0x10: {  	s16 =	sand.u32 $0x380, s24;
	s22 =	sadd.s32 s23, s22  }
0x11: {  	s16 =	sor.u32 s16, s22  }
0x12: {  	v5 =	vld [tilespmem:s20+$0xFFFFFFD0];
	[tilespmem:s19+$0x2040 ss:$0x81] =	vst.msk $0xffff, v4;
	s25 =	sand.u32 $0x7F, s15;
	s22 =	smulhi.u32 $0xCCCCCCCD, s16  }
0x13: {  	v58 =	vld [tilespmem:s20+$0xFFFFFFE0];
	[tilespmem:s19+$0x2850 ss:$0x81] =	vst.msk $0xffff, v3;
	s15 =	sor.u32 s25, s16  }
0x14: {  	s26 =	sshra.s32 s21, $0x2;
	v59 =	vld [tilespmem:s20+$0xFFFFFFF0];
	[tilespmem:s19+$0x3060 ss:$0x81] =	vst.msk $0xffff, v2;
	s27 =	smulhi.u32 $0xCCCCCCCD, s15;
	s22 =	sshrl.u32 s22, $0xA  }
0x15: {  	v60 =	vld [tilespmem:s20+$0x0];
	[tilespmem:s19+$0x0 ss:$0x81] =	vst.msk $0xffff, v0;
	s16 =	sadd.s32 s26, s18;
	s28 =	smulhi.u32 $0x333334, s22  }
0x16: {  	v61 =	vld [tilespmem:s20+$0x10];
	[tilespmem:s16+$0x3870 ss:$0x81] =	vst.msk $0xffff, v1  }
0x17: {  	v62 =	vld [tilespmem:s20+$0x20];
	[tilespmem:s16+$0x810 ss:$0x81] =	vst.msk $0xffff, v5;
	s29 =	sshrl.u32 s27, $0xA;
	s18 =	smul.u32 $0x500, s28  }
0x18: {  	v63 =	vld [tilespmem:s20+$0xFFFFFFC0];
	[tilespmem:s16+$0x1020 ss:$0x81] =	vst.msk $0xffff, v58;
	s19 =	smul.u32 $0x500, s29  }
0x19: {  	s14 =	smul.u32 $0x32000, s14;
	[tilespmem:s16+$0x1830 ss:$0x81] =	vst.msk $0xffff, v59;
	s18 =	ssub.s32 s22, s18  }
0x1a: {  	[tilespmem:s16+$0x2040 ss:$0x81] =	vst.msk $0xffff, v60;
	s15 =	ssub.s32 s15, s19;
	s18 =	smul.u32 $0xA0, s18  }
0x1b: {  	s14 =	sadd.s32 s4, s14;
	[tilespmem:s16+$0x2850 ss:$0x81] =	vst.msk $0xffff, v61;
	s19 =	sand.u32 $0x7, s15  }
0x1c: {  	[tilespmem:s16+$0x3060 ss:$0x81] =	vst.msk $0xffff, v62;
	s15 =	sshrl.u32 s15, $0x3;
	s30 =	sshll.u32 s19, $0x12;
	s14 =	sadd.s32 s18, s14  }
0x1d: {  	[tilespmem:s16+$0x0 ss:$0x81] =	vst.msk $0xffff, v63;
	s31 =	sor.u32 $0x400, s30;
	s14 =	sadd.s32 s15, s14  }
0x1e: {  	[hbm4b:s14+s31] =	stream.strided.scatter [tilespmem:s17], [sflag:$0x2], $0x4000, s9, s31, $0x20;
	[tilespmem:$0x10100] =	vst v63  }
.LBB1_5:
0x1f: {  	s17 =	sadd.s32 $0x80, s10  }
0x20: {  	s14 =	sadd.s32 $0x200, s11;
	s18 =	smov.u32 s11;
	p2 =	sgt.s32 s17, $0x4FF  }
0x21: {  	s18 =	smov.u32 @p2 s14  }
0x22: {  	s20 =	smov.u32 s12;
	s14 =	sadd.s32 $0x8, s12;
	p3 =	sgt.s32 s18, $0x4FF  }
0x23: {  	s20 =	smov.u32 @p3 s14  }
0x24: {  	s17 =	simm.s32 @p2 $0x0;
	p2 =	sgt.s32 s20, $0x7  }
0x25: {  	p1 =	slt.u32 s13, $0x2;
	s20 =	smov.u32 @p2 s7;
	p2 =	sne.s32 s13, s8  }
.Ltmp1:
0x26: {  	s19 =	simm.s32 @!p1 $0x2;
	(pc) =	sbr.rel @!p2 .LBB1_6-.Ltmp1, $4  }
0x27: {  	s16 =	smov.u32 s10;
	s15 =	smov.u32 s11;
	_ =	swait.ge @!p1 [sflag:s19], $0x4000  }
0x28: {  	p0 =	por !p0, !p0;
	[sflag:s19] =	ssyncset.done @!p1 $0x0;
	s10 =	smov.u32 s17  }
0x29: {  	s18 =	smov.u32 @p3 s2;
	s14 =	smov.u32 s12;
	[sflag:s19] =	ssyncadd.s32 @!p1 $0xFFFFC000  }
0x2a: {  	s11 =	smov.u32 s18;
	s13 =	sadd.s32 $0x1, s13;
	s12 =	smov.u32 s20  }
.LBB1_1:
0x2b: {  	p1 =	sge.u32 s13, s6  }
0x2c: {  	s17 =	sshrl.u32 @!p1 s11, $0x3  }
0x2d: {  	s18 =	sshll.u32 @!p1 s10, $0x3;
	s17 =	smul.u32 @!p1 $0x2800, s17  }
0x2e: {  	s19 =	sshll.u32 @!p1 s11, $0x7;
	s18 =	sand.u32 @!p1 $0xFFFFFC00, s18  }
0x2f: {  	s17 =	sadd.s32 @!p1 s17, s18;
	s18 =	sand.u32 @!p1 $0x380, s19  }
0x30: {  	s17 =	sor.u32 @!p1 s18, s17  }
0x31: {  	s18 =	sand.u32 @!p1 $0x7F, s10;
	s19 =	smulhi.u32 @!p1 $0xCCCCCCCD, s17  }
0x32: {  	s17 =	sor.u32 @!p1 s18, s17  }
0x33: {  	s18 =	smulhi.u32 @!p1 $0xCCCCCCCD, s17;
	s19 =	sshrl.u32 @!p1 s19, $0xA  }
0x34: {  	s20 =	smulhi.u32 @!p1 $0x333334, s19;
	_ =	sdelay $0x1  }
0x35: {  	s18 =	sshrl.u32 @!p1 s18, $0xA;
	s20 =	smul.u32 @!p1 $0x500, s20  }
0x36: {  	s31 =	sadd.s32 $0xFFFFFFFF, s13;
	s18 =	smul.u32 @!p1 $0x500, s18  }
0x37: {  	s21 =	sxor.u32 @!p1 $0xFFFFFFFF, s13;
	s19 =	ssub.s32 @!p1 s19, s20;
	s20 =	smul.u32 @!p1 $0x32000, s12  }
0x38: {  	s21 =	sshll.u32 @!p1 s21, $0xE;
	s17 =	ssub.s32 @!p1 s17, s18;
	s18 =	smul.u32 @!p1 $0xA0, s19  }
0x39: {  	s19 =	sand.u32 @!p1 $0x4000, s21;
	s21 =	sand.u32 @!p1 $0x7, s17;
	s20 =	sadd.s32 @!p1 s3, s20  }
0x3a: {  	s17 =	sshrl.u32 @!p1 s17, $0x3;
	s18 =	sadd.s32 @!p1 s18, s20;
	s20 =	sshll.u32 @!p1 s21, $0x12  }
0x3b: {  	s17 =	sadd.s32 @!p1 s17, s18;
	s18 =	sor.u32 @!p1 $0x400, s20;
	s20 =	simm.s32 @!p1 $0x2800  }
0x3c: {  	[tilespmem:s19], [sflag:$0x1] =	stream.strided.gather @!p1 [hbm4b:s17+s18], $0x4000, s20, s18, $0x38;
	[tilespmem:$0x10100] =	vst v63  }
0x3d: {  	p1 =	sge.u32 s31, s6  }
.Ltmp2:
0x3e: {  	_ = 	snop;
	(pc) =	sbr.rel @p1 .LBB1_5-.Ltmp2, $1  }
0x3f: {  	_ =	sdelay $0x3  }
0x40: {  	s17 =	simm.s32 $0x1  }
0x41: {  	_ =	swait.ge [sflag:s5], $0x4000;
	s17 =	simm.s32 @!p0 $0x0  }
0x42: {  	[sflag:s5] =	ssyncset.done $0x0;
	s18 =	sshll.u32 s17, $0xE  }
0x43: {  	[sflag:s5] =	ssyncadd.s32 $0xFFFFC000;
	s20 =	sor.u32 $0x40, s18  }
0x44: {  	s17 =	smul.u32 $0x10200, s17;
	v0 =	vld [tilespmem:s20+$0x30]  }
0x45: {  	v1 =	vld [tilespmem:s20+$0xFFFFFFD0]  }
0x46: {  	s17 =	sshrl.u32 s17, $0x2;
	v5 =	vld [tilespmem:s20+$0xFFFFFFE0]  }
0x47: {  	v6 =	vld [tilespmem:s20+$0xFFFFFFF0];
	s18 =	sor.u32 $0x8000, s17  }
0x48: {  	s31 =	sand.u32 $0x1, s13;
	v4 =	vld [tilespmem:s20+$0x0];
	s19 =	sadd.s32 $0x0, s18  }
0x49: {  	v3 =	vld [tilespmem:s20+$0x10];
	s17 =	smul.u32 $0x10200, s31;
	[tilespmem:s19+$0x3870 ss:$0x81] =	vst.msk $0xffff, v0  }
0x4a: {  	v2 =	vld [tilespmem:s20+$0x20];
	[tilespmem:s19+$0x810 ss:$0x81] =	vst.msk $0xffff, v1  }
0x4b: {  	s17 =	sshrl.u32 s17, $0x2;
	v0 =	vld [tilespmem:s20+$0xFFFFFFC0];
	[tilespmem:s19+$0x1020 ss:$0x81] =	vst.msk $0xffff, v5;
	s20 =	sadd.s32 $0x80, s20  }
0x4c: {  	s21 =	simm.s32 $0x4;
	s22 =	simm.s32 $0x8;
	s17 =	sor.u32 $0x8000, s17;
	[tilespmem:s19+$0x1830 ss:$0x81] =	vst.msk $0xffff, v6;
	v1 =	vld [tilespmem:s20+$0x30]  }
.LBB1_3:
0x4d: {  	p1 =	sne.s32 s22, $0x1FC;
	v5 =	vld [tilespmem:s20+$0xFFFFFFD0];
	[tilespmem:s19+$0x2040 ss:$0x81] =	vst.msk $0xffff, v4  }
0x4e: {  	v6 =	vld [tilespmem:s20+$0xFFFFFFE0];
	[tilespmem:s19+$0x2850 ss:$0x81] =	vst.msk $0xffff, v3  }
0x4f: {  	s23 =	sshra.s32 s21, $0x2;
	s21 =	smov.u32 s22;
	v7 =	vld [tilespmem:s20+$0xFFFFFFF0];
	[tilespmem:s19+$0x3060 ss:$0x81] =	vst.msk $0xffff, v2  }
.Ltmp3:
0x50: {  	v4 =	vld [tilespmem:s20+$0x0];
	[tilespmem:s19+$0x0 ss:$0x81] =	vst.msk $0xffff, v0;
	s19 =	sadd.s32 s23, s18;
	(pc) =	sbr.rel @p1 .LBB1_3-.Ltmp3, $4  }
0x51: {  	v3 =	vld [tilespmem:s20+$0x10];
	[tilespmem:s19+$0x3870 ss:$0x81] =	vst.msk $0xffff, v1  }
0x52: {  	[tilespmem:s19+$0x810 ss:$0x81] =	vst.msk $0xffff, v5;
	v2 =	vld [tilespmem:s20+$0x20]  }
0x53: {  	v0 =	vld [tilespmem:s20+$0xFFFFFFC0];
	[tilespmem:s19+$0x1020 ss:$0x81] =	vst.msk $0xffff, v6;
	s20 =	sadd.s32 $0x80, s20  }
0x54: {  	s22 =	sadd.s32 $0x4, s22;
	v1 =	vld [tilespmem:s20+$0x30];
	[tilespmem:s19+$0x1830 ss:$0x81] =	vst.msk $0xffff, v7  }
.Ltmp4:
0x55: {  	_ = 	snop;
	(pc) =	sbr.rel .LBB1_4-.Ltmp4, $1  }
0x56: {  	_ =	sdelay $0x3  }
.LBB1_6:
0x57: {  	_ =	sfence.sel $0x180000  }
0x58: {  	s2 =	simm.s32 $0x1;
	[bflag:$0x0] =	sbarrier.arrive $0xFFFF  }
0x59: {  	s31 =	simm.s32 $0x2;
	[sflag:s2] =	ssyncpa.u1 $0x1  }
0x5a: {  	[sflag:s31] =	ssyncpa.u1 $0x1  }
0x5b: {  	p0 =	sne.s32 s0, $0x0;
	_ =	strace $0x90000050  }
0x5c: {  	s0 =	sadd.s32 @!p0 $0x100000, s1;
	[bflag:$0x2] =	sbarrier.arrive $0xFFFF  }
0x5d: {  	[sflag:s0] =	ssyncadd.tile.s32 @!p0 $0x1;
	_ =	shalt  }
.Lfunc_end1:
_tile_overlayer_lowered:
.L_overlay_start_2:
0x5e: {  	(tag) =	ssettag $0x2  }
0x5f: {  	s0 =	rddreg [dreg:$0x0];
	s2 =	stileid.u32  }
0x60: {  	s1 =	rddreg [dreg:$0x1];
	p0 =	sne.s32 s2, $0x0  }
0x61: {  	s3 =	rddreg [dreg:$0x2];
	[bflag:$0x3] =	sbarrier.arrive $0xFFFF;
	s2 =	simm.s32 @!p0 $0x1C01  }
0x62: {  	[timem:s3], [sflag:s2] =	dma.local @!p0 [hbm:s0], s1  }
0x63: {  	s0 =	simm.s32 @!p0 $0x1  }
0x64: {  	_ =	swait.ge @!p0 [sflag:s0], s1  }
0x65: {  	s1 =	ssub.s32 @!p0 $0x0, s1;
	[sflag:s0] =	ssyncset.done @!p0 $0x0  }
0x66: {  	[sflag:s0] =	ssyncadd.s32 @!p0 s1  }
0x67: {  	[bflag:$0x3] =	sbarrier.arrive $0xFFFF  }
0x68: {  	_ =	shalt  }

</sc_bundles>
